<compile_context>
chip_gen: v7x
topology: tpu7x:2x2x1
jax: 0.10.2.dev20260603
libtpu: 0.0.44.dev20260713+nightly
codegen_flags: <defaults>
</compile_context>

<pallas_src>
import functools

import jax
import jax.numpy as jnp
from jax import lax
from jax.experimental import pallas as pl
from jax.experimental.pallas import tpu as pltpu
from jax.experimental.pallas import tpu_sc as plsc

BATCH = 4
SEQ = 8192
D = 512
NW = 32
WPB = NW // BATCH
BPW = SEQ // WPB
CHUNK = 64
NCHUNK = BPW // CHUNK
NB = 3

_mesh = plsc.VectorSubcoreMesh(core_axis_name="c", subcore_axis_name="s")


@functools.partial(
    pl.kernel,
    mesh=_mesh,
    out_type=jax.ShapeDtypeStruct((BATCH, SEQ, D), jnp.float32),
    scratch_types=(
        [pltpu.VMEM((BPW,), jnp.int32)]
        + [pltpu.VMEM((CHUNK, D), jnp.float32)] * NB
        + [pltpu.SemaphoreType.DMA] * (2 * NB)
    ),
)
def _gather_kernel(idx_hbm, table_hbm, out_hbm, idx_v, *rest):
    bufs = rest[:NB]
    gsems = rest[NB:2 * NB]
    osems = rest[2 * NB:]
    wid = lax.axis_index("s") * 2 + lax.axis_index("c")
    row = wid // WPB
    col = (wid % WPB) * BPW

    pltpu.sync_copy(idx_hbm.at[row, pl.ds(col, BPW)], idx_v)

    def start_gather(j, b):
        return pltpu.async_copy(
            table_hbm.at[idx_v.at[pl.ds(j * CHUNK, CHUNK)]], bufs[b],
            gsems[b])

    pending_g = [None] * NB
    pending_o = [None] * NB
    for j in range(NB - 1):
        pending_g[j] = start_gather(j, j)
    for j in range(NCHUNK):
        b = j % NB
        nb = (j + NB - 1) % NB
        if j + NB - 1 < NCHUNK:
            if pending_o[nb] is not None:
                pending_o[nb].wait()
                pending_o[nb] = None
            pending_g[nb] = start_gather(j + NB - 1, nb)
        pending_g[b].wait()
        pending_o[b] = pltpu.async_copy(
            bufs[b], out_hbm.at[row, pl.ds(col + j * CHUNK, CHUNK)],
            osems[b])
    for b in range(NB):
        if pending_o[b] is not None:
            pending_o[b].wait()


def kernel(src_pos, position_enc_weight):
    return _gather_kernel(src_pos, position_enc_weight)

# --- scband reference (transcript-rebuilt; emitter-appended) ---
"""Pipeline reference for scband-encoder-32435593019981 (READ-ONLY COPY).

The authoritative reference and input builder live on the scoring server;
editing this copy changes nothing except your own understanding.
"""

import jax, jax.numpy as jnp
import numpy as np


def position_encoding_init(n_position, d_pos_vec):
    position_enc = np.array([[pos / np.power(10000, 2 * i / d_pos_vec) for i in range(d_pos_vec)] if pos != 0 else np.zeros(d_pos_vec) for pos in range(n_position)])
    position_enc[1:, 0::2] = np.sin(position_enc[1:, 0::2])
    position_enc[1:, 1::2] = np.cos(position_enc[1:, 1::2])
    return jnp.asarray(position_enc, dtype=jnp.float32)


def setup_inputs(seed: int = 0) -> dict:
    key = jax.random.key(seed)
    src_pos = jax.random.randint(key, (4, 8192), 0, 8192, dtype=jnp.int32)
    position_enc_weight = position_encoding_init(8192, 512)
    return {"src_pos": src_pos, "position_enc_weight": position_enc_weight}


def reference(src_pos, position_enc_weight):
    # nn.Embedding lookup: gather rows of the positional-encoding table.
    # padding_idx=0 row is already all-zeros by construction of the table.
    enc_input = jnp.take(position_enc_weight, src_pos, axis=0)
    return enc_input

if __name__ == "__main__":
    import jax
    _d = setup_inputs()
    print(jax.jit(kernel)(*tuple(_d.values())))

</pallas_src>

<mosaic_0001>
#map = affine_map<(d0, d1) -> (0, 0)>
#map1 = affine_map<(d0, d1) -> (0, 0, 0)>
module attributes {stable_mosaic.version = 14 : i64} {
  func.func @_gather_kernel(%arg0: i32, %arg1: i32, %arg2: memref<4x8192xi32, #tpu.memory_space<hbm>>, %arg3: memref<8192x512xf32, #tpu.memory_space<hbm>>, %arg4: memref<4x8192x512xf32, #tpu.memory_space<hbm>>, %arg5: memref<1024xi32, #tpu.memory_space<vmem>>, %arg6: memref<64x512xf32, #tpu.memory_space<vmem>>, %arg7: memref<64x512xf32, #tpu.memory_space<vmem>>, %arg8: memref<64x512xf32, #tpu.memory_space<vmem>>, %arg9: memref<!tpu.dma_semaphore, #tpu.memory_space<semaphore_mem>>, %arg10: memref<!tpu.dma_semaphore, #tpu.memory_space<semaphore_mem>>, %arg11: memref<!tpu.dma_semaphore, #tpu.memory_space<semaphore_mem>>, %arg12: memref<!tpu.dma_semaphore, #tpu.memory_space<semaphore_mem>>, %arg13: memref<!tpu.dma_semaphore, #tpu.memory_space<semaphore_mem>>, %arg14: memref<!tpu.dma_semaphore, #tpu.memory_space<semaphore_mem>>) attributes {dimension_semantics = [#tpu.dimension_semantics<core_parallel>, #tpu.dimension_semantics<subcore_parallel>], iteration_bounds = array<i64: 2, 16>, scalar_prefetch = 0 : i64, scratch_operands = 10 : i64, tpu.core_type = #tpu.core_type<sc_vector_subcore>, window_params = [{transform_indices = #map}, {transform_indices = #map}, {transform_indices = #map1}]} {
    %mul3A = arith.constant 2 : i32
    %mul3A_0 = arith.muli %arg1, %mul3A : i32
    %add3A = arith.addi %mul3A_0, %arg0 : i32
    %jit3A = arith.constant 8 : i32
    %div3A = arith.divsi %add3A, %jit3A : i32
    %sign3A = arith.constant 0 : i32
    %sign3A_1 = arith.cmpi sgt, %add3A, %sign3A : i32
    %sign3A_2 = arith.extui %sign3A_1 : i1 to i32
    %sign3A_3 = arith.constant 0 : i32
    %sign3A_4 = arith.cmpi slt, %add3A, %sign3A_3 : i32
    %sign3A_5 = arith.extui %sign3A_4 : i1 to i32
    %sign3A_6 = arith.subi %sign3A_2, %sign3A_5 : i32
    %sign3A_7 = arith.constant 0 : i32
    %sign3A_8 = arith.cmpi sgt, %jit3A, %sign3A_7 : i32
    %sign3A_9 = arith.extui %sign3A_8 : i1 to i32
    %sign3A_10 = arith.constant 0 : i32
    %sign3A_11 = arith.cmpi slt, %jit3A, %sign3A_10 : i32
    %sign3A_12 = arith.extui %sign3A_11 : i1 to i32
    %sign3A_13 = arith.subi %sign3A_9, %sign3A_12 : i32
    %ne3A = arith.cmpi ne, %sign3A_6, %sign3A_13 : i32
    %rem3A = arith.remsi %add3A, %jit3A : i32
    %ne3A_14 = arith.constant 0 : i32
    %ne3A_15 = arith.cmpi ne, %rem3A, %ne3A_14 : i32
    %and3A = arith.andi %ne3A, %ne3A_15 : i1
    %sub3A = arith.constant 1 : i32
    %sub3A_16 = arith.subi %div3A, %sub3A : i32
    %select_n3A = arith.select %and3A, %sub3A_16, %div3A : i32
    %jit3A_17 = arith.constant 8 : i32
    %eq3A = arith.constant 0 : i32
    %eq3A_18 = arith.cmpi eq, %jit3A_17, %eq3A : i32
    %jit3A_19 = arith.constant 1 : i32
    %select_n3A_20 = arith.select %eq3A_18, %jit3A_19, %jit3A_17 : i32
    %rem3A_21 = arith.remsi %add3A, %select_n3A_20 : i32
    %ne3A_22 = arith.constant 0 : i32
    %ne3A_23 = arith.cmpi ne, %rem3A_21, %ne3A_22 : i32
    %lt3A = arith.constant 0 : i32
    %lt3A_24 = arith.cmpi slt, %rem3A_21, %lt3A : i32
    %lt3A_25 = arith.constant 0 : i32
    %lt3A_26 = arith.cmpi slt, %select_n3A_20, %lt3A_25 : i32
    %ne3A_27 = arith.xori %lt3A_24, %lt3A_26 : i1
    %and3A_28 = arith.andi %ne3A_27, %ne3A_23 : i1
    %add3A_29 = arith.addi %rem3A_21, %select_n3A_20 : i32
    %select_n3A_30 = arith.select %and3A_28, %add3A_29, %rem3A_21 : i32
    %mul3A_31 = arith.constant 1024 : i32
    %mul3A_32 = arith.muli %select_n3A_30, %mul3A_31 : i32
    "tpu.region"() ({
      %run_scoped3A = tpu.sem_alloc : memref<!tpu.dma_semaphore, #tpu.memory_space<semaphore_mem>>
      %dma_start3A_415 = tpu.memref_slice %arg2[%select_n3A, %mul3A_32] : memref<4x8192xi32, #tpu.memory_space<hbm>> -> memref<1x1024xi32, #tpu.memory_space<hbm>>
      %dma_start3A_416 = tpu.memref_squeeze %dma_start3A_415 : memref<1x1024xi32, #tpu.memory_space<hbm>> -> memref<1024xi32, #tpu.memory_space<hbm>>
      %dma_start3A_417 = tpu.memref_slice %arg2[%select_n3A, %mul3A_32] : memref<4x8192xi32, #tpu.memory_space<hbm>> -> memref<1x1024xi32, #tpu.memory_space<hbm>>
      %dma_start3A_418 = tpu.memref_squeeze %dma_start3A_417 : memref<1x1024xi32, #tpu.memory_space<hbm>> -> memref<1024xi32, #tpu.memory_space<hbm>>
      tpu.enqueue_dma source(%dma_start3A_418 : memref<1024xi32, #tpu.memory_space<hbm>>) target(%arg5 : memref<1024xi32, #tpu.memory_space<vmem>>) target_semaphore(%run_scoped3A : memref<!tpu.dma_semaphore, #tpu.memory_space<semaphore_mem>>)
      %dma_wait3A_419 = tpu.memref_slice %arg2[%select_n3A, %mul3A_32] : memref<4x8192xi32, #tpu.memory_space<hbm>> -> memref<1x1024xi32, #tpu.memory_space<hbm>>
      %dma_wait3A_420 = tpu.memref_squeeze %dma_wait3A_419 : memref<1x1024xi32, #tpu.memory_space<hbm>> -> memref<1024xi32, #tpu.memory_space<hbm>>
      %dma_wait3A_421 = tpu.memref_slice %arg2[%select_n3A, %mul3A_32] : memref<4x8192xi32, #tpu.memory_space<hbm>> -> memref<1x1024xi32, #tpu.memory_space<hbm>>
      %dma_wait3A_422 = tpu.memref_squeeze %dma_wait3A_421 : memref<1x1024xi32, #tpu.memory_space<hbm>> -> memref<1024xi32, #tpu.memory_space<hbm>>
      tpu.wait_dma2 semaphore(%run_scoped3A : memref<!tpu.dma_semaphore, #tpu.memory_space<semaphore_mem>>) src(%dma_wait3A_422 : memref<1024xi32, #tpu.memory_space<hbm>>) dst(%arg5 : memref<1024xi32, #tpu.memory_space<vmem>>)
      tpu.yield
    }) : () -> ()
    %dma_start3A = arith.constant 0 : i32
    %dma_start3A_33 = tpu.memref_slice %arg5[%dma_start3A] : memref<1024xi32, #tpu.memory_space<vmem>> -> memref<64xi32, #tpu.memory_space<vmem>>
    %dma_start3A_34 = arith.constant 0 : i32
    %dma_start3A_35 = arith.constant 0 : i32
    %dma_start3A_36 = tpu.memref_slice %arg3[%dma_start3A_34, %dma_start3A_35] : memref<8192x512xf32, #tpu.memory_space<hbm>> -> memref<8192x512xf32, #tpu.memory_space<hbm>>
    tpu.enqueue_indirect_dma source(%dma_start3A_36 : memref<8192x512xf32, #tpu.memory_space<hbm>>) target(%arg6 : memref<64x512xf32, #tpu.memory_space<vmem>>) offsets(%dma_start3A_33 : memref<64xi32, #tpu.memory_space<vmem>>) semaphore(%arg9 : memref<!tpu.dma_semaphore, #tpu.memory_space<semaphore_mem>>)
    %dma_start3A_37 = arith.constant 64 : i32
    %dma_start3A_38 = tpu.memref_slice %arg5[%dma_start3A_37] : memref<1024xi32, #tpu.memory_space<vmem>> -> memref<64xi32, #tpu.memory_space<vmem>>
    %dma_start3A_39 = arith.constant 0 : i32
    %dma_start3A_40 = arith.constant 0 : i32
    %dma_start3A_41 = tpu.memref_slice %arg3[%dma_start3A_39, %dma_start3A_40] : memref<8192x512xf32, #tpu.memory_space<hbm>> -> memref<8192x512xf32, #tpu.memory_space<hbm>>
    tpu.enqueue_indirect_dma source(%dma_start3A_41 : memref<8192x512xf32, #tpu.memory_space<hbm>>) target(%arg7 : memref<64x512xf32, #tpu.memory_space<vmem>>) offsets(%dma_start3A_38 : memref<64xi32, #tpu.memory_space<vmem>>) semaphore(%arg10 : memref<!tpu.dma_semaphore, #tpu.memory_space<semaphore_mem>>)
    %dma_start3A_42 = arith.constant 128 : i32
    %dma_start3A_43 = tpu.memref_slice %arg5[%dma_start3A_42] : memref<1024xi32, #tpu.memory_space<vmem>> -> memref<64xi32, #tpu.memory_space<vmem>>
    %dma_start3A_44 = arith.constant 0 : i32
    %dma_start3A_45 = arith.constant 0 : i32
    %dma_start3A_46 = tpu.memref_slice %arg3[%dma_start3A_44, %dma_start3A_45] : memref<8192x512xf32, #tpu.memory_space<hbm>> -> memref<8192x512xf32, #tpu.memory_space<hbm>>
    tpu.enqueue_indirect_dma source(%dma_start3A_46 : memref<8192x512xf32, #tpu.memory_space<hbm>>) target(%arg8 : memref<64x512xf32, #tpu.memory_space<vmem>>) offsets(%dma_start3A_43 : memref<64xi32, #tpu.memory_space<vmem>>) semaphore(%arg11 : memref<!tpu.dma_semaphore, #tpu.memory_space<semaphore_mem>>)
    %dma_wait3A = arith.constant 0 : i32
    %dma_wait3A_47 = tpu.memref_slice %arg5[%dma_wait3A] : memref<1024xi32, #tpu.memory_space<vmem>> -> memref<64xi32, #tpu.memory_space<vmem>>
    %dma_wait3A_48 = arith.constant 0 : i32
    %dma_wait3A_49 = arith.constant 0 : i32
    %dma_wait3A_50 = tpu.memref_slice %arg3[%dma_wait3A_48, %dma_wait3A_49] : memref<8192x512xf32, #tpu.memory_space<hbm>> -> memref<8192x512xf32, #tpu.memory_space<hbm>>
    tpu.wait_indirect_dma semaphore(%arg9 : memref<!tpu.dma_semaphore, #tpu.memory_space<semaphore_mem>>) src(%dma_wait3A_50 : memref<8192x512xf32, #tpu.memory_space<hbm>>) dst(%arg6 : memref<64x512xf32, #tpu.memory_space<vmem>>)
    %add3A_51 = arith.constant 0 : i32
    %add3A_52 = arith.addi %mul3A_32, %add3A_51 : i32
    %dma_start3A_53 = arith.constant 0 : i32
    %dma_start3A_54 = tpu.memref_slice %arg4[%select_n3A, %add3A_52, %dma_start3A_53] : memref<4x8192x512xf32, #tpu.memory_space<hbm>> -> memref<1x64x512xf32, #tpu.memory_space<hbm>>
    %dma_start3A_55 = tpu.memref_squeeze %dma_start3A_54 : memref<1x64x512xf32, #tpu.memory_space<hbm>> -> memref<64x512xf32, #tpu.memory_space<hbm>>
    %dma_start3A_56 = arith.constant 0 : i32
    %dma_start3A_57 = tpu.memref_slice %arg4[%select_n3A, %add3A_52, %dma_start3A_56] : memref<4x8192x512xf32, #tpu.memory_space<hbm>> -> memref<1x64x512xf32, #tpu.memory_space<hbm>>
    %dma_start3A_58 = tpu.memref_squeeze %dma_start3A_57 : memref<1x64x512xf32, #tpu.memory_space<hbm>> -> memref<64x512xf32, #tpu.memory_space<hbm>>
    tpu.enqueue_dma source(%arg6 : memref<64x512xf32, #tpu.memory_space<vmem>>) target(%dma_start3A_58 : memref<64x512xf32, #tpu.memory_space<hbm>>) target_semaphore(%arg12 : memref<!tpu.dma_semaphore, #tpu.memory_space<semaphore_mem>>)
    %dma_wait3A_59 = arith.constant 0 : i32
    %dma_wait3A_60 = tpu.memref_slice %arg4[%select_n3A, %add3A_52, %dma_wait3A_59] : memref<4x8192x512xf32, #tpu.memory_space<hbm>> -> memref<1x64x512xf32, #tpu.memory_space<hbm>>
    %dma_wait3A_61 = tpu.memref_squeeze %dma_wait3A_60 : memref<1x64x512xf32, #tpu.memory_space<hbm>> -> memref<64x512xf32, #tpu.memory_space<hbm>>
    %dma_wait3A_62 = arith.constant 0 : i32
    %dma_wait3A_63 = tpu.memref_slice %arg4[%select_n3A, %add3A_52, %dma_wait3A_62] : memref<4x8192x512xf32, #tpu.memory_space<hbm>> -> memref<1x64x512xf32, #tpu.memory_space<hbm>>
    %dma_wait3A_64 = tpu.memref_squeeze %dma_wait3A_63 : memref<1x64x512xf32, #tpu.memory_space<hbm>> -> memref<64x512xf32, #tpu.memory_space<hbm>>
    tpu.wait_dma2 semaphore(%arg12 : memref<!tpu.dma_semaphore, #tpu.memory_space<semaphore_mem>>) src(%arg6 : memref<64x512xf32, #tpu.memory_space<vmem>>) dst(%dma_wait3A_64 : memref<64x512xf32, #tpu.memory_space<hbm>>)
    %dma_start3A_65 = arith.constant 192 : i32
    %dma_start3A_66 = tpu.memref_slice %arg5[%dma_start3A_65] : memref<1024xi32, #tpu.memory_space<vmem>> -> memref<64xi32, #tpu.memory_space<vmem>>
    %dma_start3A_67 = arith.constant 0 : i32
    %dma_start3A_68 = arith.constant 0 : i32
    %dma_start3A_69 = tpu.memref_slice %arg3[%dma_start3A_67, %dma_start3A_68] : memref<8192x512xf32, #tpu.memory_space<hbm>> -> memref<8192x512xf32, #tpu.memory_space<hbm>>
    tpu.enqueue_indirect_dma source(%dma_start3A_69 : memref<8192x512xf32, #tpu.memory_space<hbm>>) target(%arg6 : memref<64x512xf32, #tpu.memory_space<vmem>>) offsets(%dma_start3A_66 : memref<64xi32, #tpu.memory_space<vmem>>) semaphore(%arg9 : memref<!tpu.dma_semaphore, #tpu.memory_space<semaphore_mem>>)
    %dma_wait3A_70 = arith.constant 64 : i32
    %dma_wait3A_71 = tpu.memref_slice %arg5[%dma_wait3A_70] : memref<1024xi32, #tpu.memory_space<vmem>> -> memref<64xi32, #tpu.memory_space<vmem>>
    %dma_wait3A_72 = arith.constant 0 : i32
    %dma_wait3A_73 = arith.constant 0 : i32
    %dma_wait3A_74 = tpu.memref_slice %arg3[%dma_wait3A_72, %dma_wait3A_73] : memref<8192x512xf32, #tpu.memory_space<hbm>> -> memref<8192x512xf32, #tpu.memory_space<hbm>>
    tpu.wait_indirect_dma semaphore(%arg10 : memref<!tpu.dma_semaphore, #tpu.memory_space<semaphore_mem>>) src(%dma_wait3A_74 : memref<8192x512xf32, #tpu.memory_space<hbm>>) dst(%arg7 : memref<64x512xf32, #tpu.memory_space<vmem>>)
    %add3A_75 = arith.constant 64 : i32
    %add3A_76 = arith.addi %mul3A_32, %add3A_75 : i32
    %dma_start3A_77 = arith.constant 0 : i32
    %dma_start3A_78 = tpu.memref_slice %arg4[%select_n3A, %add3A_76, %dma_start3A_77] : memref<4x8192x512xf32, #tpu.memory_space<hbm>> -> memref<1x64x512xf32, #tpu.memory_space<hbm>>
    %dma_start3A_79 = tpu.memref_squeeze %dma_start3A_78 : memref<1x64x512xf32, #tpu.memory_space<hbm>> -> memref<64x512xf32, #tpu.memory_space<hbm>>
    %dma_start3A_80 = arith.constant 0 : i32
    %dma_start3A_81 = tpu.memref_slice %arg4[%select_n3A, %add3A_76, %dma_start3A_80] : memref<4x8192x512xf32, #tpu.memory_space<hbm>> -> memref<1x64x512xf32, #tpu.memory_space<hbm>>
    %dma_start3A_82 = tpu.memref_squeeze %dma_start3A_81 : memref<1x64x512xf32, #tpu.memory_space<hbm>> -> memref<64x512xf32, #tpu.memory_space<hbm>>
    tpu.enqueue_dma source(%arg7 : memref<64x512xf32, #tpu.memory_space<vmem>>) target(%dma_start3A_82 : memref<64x512xf32, #tpu.memory_space<hbm>>) target_semaphore(%arg13 : memref<!tpu.dma_semaphore, #tpu.memory_space<semaphore_mem>>)
    %dma_wait3A_83 = arith.constant 0 : i32
    %dma_wait3A_84 = tpu.memref_slice %arg4[%select_n3A, %add3A_76, %dma_wait3A_83] : memref<4x8192x512xf32, #tpu.memory_space<hbm>> -> memref<1x64x512xf32, #tpu.memory_space<hbm>>
    %dma_wait3A_85 = tpu.memref_squeeze %dma_wait3A_84 : memref<1x64x512xf32, #tpu.memory_space<hbm>> -> memref<64x512xf32, #tpu.memory_space<hbm>>
    %dma_wait3A_86 = arith.constant 0 : i32
    %dma_wait3A_87 = tpu.memref_slice %arg4[%select_n3A, %add3A_76, %dma_wait3A_86] : memref<4x8192x512xf32, #tpu.memory_space<hbm>> -> memref<1x64x512xf32, #tpu.memory_space<hbm>>
    %dma_wait3A_88 = tpu.memref_squeeze %dma_wait3A_87 : memref<1x64x512xf32, #tpu.memory_space<hbm>> -> memref<64x512xf32, #tpu.memory_space<hbm>>
    tpu.wait_dma2 semaphore(%arg13 : memref<!tpu.dma_semaphore, #tpu.memory_space<semaphore_mem>>) src(%arg7 : memref<64x512xf32, #tpu.memory_space<vmem>>) dst(%dma_wait3A_88 : memref<64x512xf32, #tpu.memory_space<hbm>>)
    %dma_start3A_89 = arith.constant 256 : i32
    %dma_start3A_90 = tpu.memref_slice %arg5[%dma_start3A_89] : memref<1024xi32, #tpu.memory_space<vmem>> -> memref<64xi32, #tpu.memory_space<vmem>>
    %dma_start3A_91 = arith.constant 0 : i32
    %dma_start3A_92 = arith.constant 0 : i32
    %dma_start3A_93 = tpu.memref_slice %arg3[%dma_start3A_91, %dma_start3A_92] : memref<8192x512xf32, #tpu.memory_space<hbm>> -> memref<8192x512xf32, #tpu.memory_space<hbm>>
    tpu.enqueue_indirect_dma source(%dma_start3A_93 : memref<8192x512xf32, #tpu.memory_space<hbm>>) target(%arg7 : memref<64x512xf32, #tpu.memory_space<vmem>>) offsets(%dma_start3A_90 : memref<64xi32, #tpu.memory_space<vmem>>) semaphore(%arg10 : memref<!tpu.dma_semaphore, #tpu.memory_space<semaphore_mem>>)
    %dma_wait3A_94 = arith.constant 128 : i32
    %dma_wait3A_95 = tpu.memref_slice %arg5[%dma_wait3A_94] : memref<1024xi32, #tpu.memory_space<vmem>> -> memref<64xi32, #tpu.memory_space<vmem>>
    %dma_wait3A_96 = arith.constant 0 : i32
    %dma_wait3A_97 = arith.constant 0 : i32
    %dma_wait3A_98 = tpu.memref_slice %arg3[%dma_wait3A_96, %dma_wait3A_97] : memref<8192x512xf32, #tpu.memory_space<hbm>> -> memref<8192x512xf32, #tpu.memory_space<hbm>>
    tpu.wait_indirect_dma semaphore(%arg11 : memref<!tpu.dma_semaphore, #tpu.memory_space<semaphore_mem>>) src(%dma_wait3A_98 : memref<8192x512xf32, #tpu.memory_space<hbm>>) dst(%arg8 : memref<64x512xf32, #tpu.memory_space<vmem>>)
    %add3A_99 = arith.constant 128 : i32
    %add3A_100 = arith.addi %mul3A_32, %add3A_99 : i32
    %dma_start3A_101 = arith.constant 0 : i32
    %dma_start3A_102 = tpu.memref_slice %arg4[%select_n3A, %add3A_100, %dma_start3A_101] : memref<4x8192x512xf32, #tpu.memory_space<hbm>> -> memref<1x64x512xf32, #tpu.memory_space<hbm>>
    %dma_start3A_103 = tpu.memref_squeeze %dma_start3A_102 : memref<1x64x512xf32, #tpu.memory_space<hbm>> -> memref<64x512xf32, #tpu.memory_space<hbm>>
    %dma_start3A_104 = arith.constant 0 : i32
    %dma_start3A_105 = tpu.memref_slice %arg4[%select_n3A, %add3A_100, %dma_start3A_104] : memref<4x8192x512xf32, #tpu.memory_space<hbm>> -> memref<1x64x512xf32, #tpu.memory_space<hbm>>
    %dma_start3A_106 = tpu.memref_squeeze %dma_start3A_105 : memref<1x64x512xf32, #tpu.memory_space<hbm>> -> memref<64x512xf32, #tpu.memory_space<hbm>>
    tpu.enqueue_dma source(%arg8 : memref<64x512xf32, #tpu.memory_space<vmem>>) target(%dma_start3A_106 : memref<64x512xf32, #tpu.memory_space<hbm>>) target_semaphore(%arg14 : memref<!tpu.dma_semaphore, #tpu.memory_space<semaphore_mem>>)
    %dma_wait3A_107 = arith.constant 0 : i32
    %dma_wait3A_108 = tpu.memref_slice %arg4[%select_n3A, %add3A_100, %dma_wait3A_107] : memref<4x8192x512xf32, #tpu.memory_space<hbm>> -> memref<1x64x512xf32, #tpu.memory_space<hbm>>
    %dma_wait3A_109 = tpu.memref_squeeze %dma_wait3A_108 : memref<1x64x512xf32, #tpu.memory_space<hbm>> -> memref<64x512xf32, #tpu.memory_space<hbm>>
    %dma_wait3A_110 = arith.constant 0 : i32
    %dma_wait3A_111 = tpu.memref_slice %arg4[%select_n3A, %add3A_100, %dma_wait3A_110] : memref<4x8192x512xf32, #tpu.memory_space<hbm>> -> memref<1x64x512xf32, #tpu.memory_space<hbm>>
    %dma_wait3A_112 = tpu.memref_squeeze %dma_wait3A_111 : memref<1x64x512xf32, #tpu.memory_space<hbm>> -> memref<64x512xf32, #tpu.memory_space<hbm>>
    tpu.wait_dma2 semaphore(%arg14 : memref<!tpu.dma_semaphore, #tpu.memory_space<semaphore_mem>>) src(%arg8 : memref<64x512xf32, #tpu.memory_space<vmem>>) dst(%dma_wait3A_112 : memref<64x512xf32, #tpu.memory_space<hbm>>)
    %dma_start3A_113 = arith.constant 320 : i32
    %dma_start3A_114 = tpu.memref_slice %arg5[%dma_start3A_113] : memref<1024xi32, #tpu.memory_space<vmem>> -> memref<64xi32, #tpu.memory_space<vmem>>
    %dma_start3A_115 = arith.constant 0 : i32
    %dma_start3A_116 = arith.constant 0 : i32
    %dma_start3A_117 = tpu.memref_slice %arg3[%dma_start3A_115, %dma_start3A_116] : memref<8192x512xf32, #tpu.memory_space<hbm>> -> memref<8192x512xf32, #tpu.memory_space<hbm>>
    tpu.enqueue_indirect_dma source(%dma_start3A_117 : memref<8192x512xf32, #tpu.memory_space<hbm>>) target(%arg8 : memref<64x512xf32, #tpu.memory_space<vmem>>) offsets(%dma_start3A_114 : memref<64xi32, #tpu.memory_space<vmem>>) semaphore(%arg11 : memref<!tpu.dma_semaphore, #tpu.memory_space<semaphore_mem>>)
    %dma_wait3A_118 = arith.constant 192 : i32
    %dma_wait3A_119 = tpu.memref_slice %arg5[%dma_wait3A_118] : memref<1024xi32, #tpu.memory_space<vmem>> -> memref<64xi32, #tpu.memory_space<vmem>>
    %dma_wait3A_120 = arith.constant 0 : i32
    %dma_wait3A_121 = arith.constant 0 : i32
    %dma_wait3A_122 = tpu.memref_slice %arg3[%dma_wait3A_120, %dma_wait3A_121] : memref<8192x512xf32, #tpu.memory_space<hbm>> -> memref<8192x512xf32, #tpu.memory_space<hbm>>
    tpu.wait_indirect_dma semaphore(%arg9 : memref<!tpu.dma_semaphore, #tpu.memory_space<semaphore_mem>>) src(%dma_wait3A_122 : memref<8192x512xf32, #tpu.memory_space<hbm>>) dst(%arg6 : memref<64x512xf32, #tpu.memory_space<vmem>>)
    %add3A_123 = arith.constant 192 : i32
    %add3A_124 = arith.addi %mul3A_32, %add3A_123 : i32
    %dma_start3A_125 = arith.constant 0 : i32
    %dma_start3A_126 = tpu.memref_slice %arg4[%select_n3A, %add3A_124, %dma_start3A_125] : memref<4x8192x512xf32, #tpu.memory_space<hbm>> -> memref<1x64x512xf32, #tpu.memory_space<hbm>>
    %dma_start3A_127 = tpu.memref_squeeze %dma_start3A_126 : memref<1x64x512xf32, #tpu.memory_space<hbm>> -> memref<64x512xf32, #tpu.memory_space<hbm>>
    %dma_start3A_128 = arith.constant 0 : i32
    %dma_start3A_129 = tpu.memref_slice %arg4[%select_n3A, %add3A_124, %dma_start3A_128] : memref<4x8192x512xf32, #tpu.memory_space<hbm>> -> memref<1x64x512xf32, #tpu.memory_space<hbm>>
    %dma_start3A_130 = tpu.memref_squeeze %dma_start3A_129 : memref<1x64x512xf32, #tpu.memory_space<hbm>> -> memref<64x512xf32, #tpu.memory_space<hbm>>
    tpu.enqueue_dma source(%arg6 : memref<64x512xf32, #tpu.memory_space<vmem>>) target(%dma_start3A_130 : memref<64x512xf32, #tpu.memory_space<hbm>>) target_semaphore(%arg12 : memref<!tpu.dma_semaphore, #tpu.memory_space<semaphore_mem>>)
    %dma_wait3A_131 = arith.constant 0 : i32
    %dma_wait3A_132 = tpu.memref_slice %arg4[%select_n3A, %add3A_124, %dma_wait3A_131] : memref<4x8192x512xf32, #tpu.memory_space<hbm>> -> memref<1x64x512xf32, #tpu.memory_space<hbm>>
    %dma_wait3A_133 = tpu.memref_squeeze %dma_wait3A_132 : memref<1x64x512xf32, #tpu.memory_space<hbm>> -> memref<64x512xf32, #tpu.memory_space<hbm>>
    %dma_wait3A_134 = arith.constant 0 : i32
    %dma_wait3A_135 = tpu.memref_slice %arg4[%select_n3A, %add3A_124, %dma_wait3A_134] : memref<4x8192x512xf32, #tpu.memory_space<hbm>> -> memref<1x64x512xf32, #tpu.memory_space<hbm>>
    %dma_wait3A_136 = tpu.memref_squeeze %dma_wait3A_135 : memref<1x64x512xf32, #tpu.memory_space<hbm>> -> memref<64x512xf32, #tpu.memory_space<hbm>>
    tpu.wait_dma2 semaphore(%arg12 : memref<!tpu.dma_semaphore, #tpu.memory_space<semaphore_mem>>) src(%arg6 : memref<64x512xf32, #tpu.memory_space<vmem>>) dst(%dma_wait3A_136 : memref<64x512xf32, #tpu.memory_space<hbm>>)
    %dma_start3A_137 = arith.constant 384 : i32
    %dma_start3A_138 = tpu.memref_slice %arg5[%dma_start3A_137] : memref<1024xi32, #tpu.memory_space<vmem>> -> memref<64xi32, #tpu.memory_space<vmem>>
    %dma_start3A_139 = arith.constant 0 : i32
    %dma_start3A_140 = arith.constant 0 : i32
    %dma_start3A_141 = tpu.memref_slice %arg3[%dma_start3A_139, %dma_start3A_140] : memref<8192x512xf32, #tpu.memory_space<hbm>> -> memref<8192x512xf32, #tpu.memory_space<hbm>>
    tpu.enqueue_indirect_dma source(%dma_start3A_141 : memref<8192x512xf32, #tpu.memory_space<hbm>>) target(%arg6 : memref<64x512xf32, #tpu.memory_space<vmem>>) offsets(%dma_start3A_138 : memref<64xi32, #tpu.memory_space<vmem>>) semaphore(%arg9 : memref<!tpu.dma_semaphore, #tpu.memory_space<semaphore_mem>>)
    %dma_wait3A_142 = arith.constant 256 : i32
    %dma_wait3A_143 = tpu.memref_slice %arg5[%dma_wait3A_142] : memref<1024xi32, #tpu.memory_space<vmem>> -> memref<64xi32, #tpu.memory_space<vmem>>
    %dma_wait3A_144 = arith.constant 0 : i32
    %dma_wait3A_145 = arith.constant 0 : i32
    %dma_wait3A_146 = tpu.memref_slice %arg3[%dma_wait3A_144, %dma_wait3A_145] : memref<8192x512xf32, #tpu.memory_space<hbm>> -> memref<8192x512xf32, #tpu.memory_space<hbm>>
    tpu.wait_indirect_dma semaphore(%arg10 : memref<!tpu.dma_semaphore, #tpu.memory_space<semaphore_mem>>) src(%dma_wait3A_146 : memref<8192x512xf32, #tpu.memory_space<hbm>>) dst(%arg7 : memref<64x512xf32, #tpu.memory_space<vmem>>)
    %add3A_147 = arith.constant 256 : i32
    %add3A_148 = arith.addi %mul3A_32, %add3A_147 : i32
    %dma_start3A_149 = arith.constant 0 : i32
    %dma_start3A_150 = tpu.memref_slice %arg4[%select_n3A, %add3A_148, %dma_start3A_149] : memref<4x8192x512xf32, #tpu.memory_space<hbm>> -> memref<1x64x512xf32, #tpu.memory_space<hbm>>
    %dma_start3A_151 = tpu.memref_squeeze %dma_start3A_150 : memref<1x64x512xf32, #tpu.memory_space<hbm>> -> memref<64x512xf32, #tpu.memory_space<hbm>>
    %dma_start3A_152 = arith.constant 0 : i32
    %dma_start3A_153 = tpu.memref_slice %arg4[%select_n3A, %add3A_148, %dma_start3A_152] : memref<4x8192x512xf32, #tpu.memory_space<hbm>> -> memref<1x64x512xf32, #tpu.memory_space<hbm>>
    %dma_start3A_154 = tpu.memref_squeeze %dma_start3A_153 : memref<1x64x512xf32, #tpu.memory_space<hbm>> -> memref<64x512xf32, #tpu.memory_space<hbm>>
    tpu.enqueue_dma source(%arg7 : memref<64x512xf32, #tpu.memory_space<vmem>>) target(%dma_start3A_154 : memref<64x512xf32, #tpu.memory_space<hbm>>) target_semaphore(%arg13 : memref<!tpu.dma_semaphore, #tpu.memory_space<semaphore_mem>>)
    %dma_wait3A_155 = arith.constant 0 : i32
    %dma_wait3A_156 = tpu.memref_slice %arg4[%select_n3A, %add3A_148, %dma_wait3A_155] : memref<4x8192x512xf32, #tpu.memory_space<hbm>> -> memref<1x64x512xf32, #tpu.memory_space<hbm>>
    %dma_wait3A_157 = tpu.memref_squeeze %dma_wait3A_156 : memref<1x64x512xf32, #tpu.memory_space<hbm>> -> memref<64x512xf32, #tpu.memory_space<hbm>>
    %dma_wait3A_158 = arith.constant 0 : i32
    %dma_wait3A_159 = tpu.memref_slice %arg4[%select_n3A, %add3A_148, %dma_wait3A_158] : memref<4x8192x512xf32, #tpu.memory_space<hbm>> -> memref<1x64x512xf32, #tpu.memory_space<hbm>>
    %dma_wait3A_160 = tpu.memref_squeeze %dma_wait3A_159 : memref<1x64x512xf32, #tpu.memory_space<hbm>> -> memref<64x512xf32, #tpu.memory_space<hbm>>
    tpu.wait_dma2 semaphore(%arg13 : memref<!tpu.dma_semaphore, #tpu.memory_space<semaphore_mem>>) src(%arg7 : memref<64x512xf32, #tpu.memory_space<vmem>>) dst(%dma_wait3A_160 : memref<64x512xf32, #tpu.memory_space<hbm>>)
    %dma_start3A_161 = arith.constant 448 : i32
    %dma_start3A_162 = tpu.memref_slice %arg5[%dma_start3A_161] : memref<1024xi32, #tpu.memory_space<vmem>> -> memref<64xi32, #tpu.memory_space<vmem>>
    %dma_start3A_163 = arith.constant 0 : i32
    %dma_start3A_164 = arith.constant 0 : i32
    %dma_start3A_165 = tpu.memref_slice %arg3[%dma_start3A_163, %dma_start3A_164] : memref<8192x512xf32, #tpu.memory_space<hbm>> -> memref<8192x512xf32, #tpu.memory_space<hbm>>
    tpu.enqueue_indirect_dma source(%dma_start3A_165 : memref<8192x512xf32, #tpu.memory_space<hbm>>) target(%arg7 : memref<64x512xf32, #tpu.memory_space<vmem>>) offsets(%dma_start3A_162 : memref<64xi32, #tpu.memory_space<vmem>>) semaphore(%arg10 : memref<!tpu.dma_semaphore, #tpu.memory_space<semaphore_mem>>)
    %dma_wait3A_166 = arith.constant 320 : i32
    %dma_wait3A_167 = tpu.memref_slice %arg5[%dma_wait3A_166] : memref<1024xi32, #tpu.memory_space<vmem>> -> memref<64xi32, #tpu.memory_space<vmem>>
    %dma_wait3A_168 = arith.constant 0 : i32
    %dma_wait3A_169 = arith.constant 0 : i32
    %dma_wait3A_170 = tpu.memref_slice %arg3[%dma_wait3A_168, %dma_wait3A_169] : memref<8192x512xf32, #tpu.memory_space<hbm>> -> memref<8192x512xf32, #tpu.memory_space<hbm>>
    tpu.wait_indirect_dma semaphore(%arg11 : memref<!tpu.dma_semaphore, #tpu.memory_space<semaphore_mem>>) src(%dma_wait3A_170 : memref<8192x512xf32, #tpu.memory_space<hbm>>) dst(%arg8 : memref<64x512xf32, #tpu.memory_space<vmem>>)
    %add3A_171 = arith.constant 320 : i32
    %add3A_172 = arith.addi %mul3A_32, %add3A_171 : i32
    %dma_start3A_173 = arith.constant 0 : i32
    %dma_start3A_174 = tpu.memref_slice %arg4[%select_n3A, %add3A_172, %dma_start3A_173] : memref<4x8192x512xf32, #tpu.memory_space<hbm>> -> memref<1x64x512xf32, #tpu.memory_space<hbm>>
    %dma_start3A_175 = tpu.memref_squeeze %dma_start3A_174 : memref<1x64x512xf32, #tpu.memory_space<hbm>> -> memref<64x512xf32, #tpu.memory_space<hbm>>
    %dma_start3A_176 = arith.constant 0 : i32
    %dma_start3A_177 = tpu.memref_slice %arg4[%select_n3A, %add3A_172, %dma_start3A_176] : memref<4x8192x512xf32, #tpu.memory_space<hbm>> -> memref<1x64x512xf32, #tpu.memory_space<hbm>>
    %dma_start3A_178 = tpu.memref_squeeze %dma_start3A_177 : memref<1x64x512xf32, #tpu.memory_space<hbm>> -> memref<64x512xf32, #tpu.memory_space<hbm>>
    tpu.enqueue_dma source(%arg8 : memref<64x512xf32, #tpu.memory_space<vmem>>) target(%dma_start3A_178 : memref<64x512xf32, #tpu.memory_space<hbm>>) target_semaphore(%arg14 : memref<!tpu.dma_semaphore, #tpu.memory_space<semaphore_mem>>)
    %dma_wait3A_179 = arith.constant 0 : i32
    %dma_wait3A_180 = tpu.memref_slice %arg4[%select_n3A, %add3A_172, %dma_wait3A_179] : memref<4x8192x512xf32, #tpu.memory_space<hbm>> -> memref<1x64x512xf32, #tpu.memory_space<hbm>>
    %dma_wait3A_181 = tpu.memref_squeeze %dma_wait3A_180 : memref<1x64x512xf32, #tpu.memory_space<hbm>> -> memref<64x512xf32, #tpu.memory_space<hbm>>
    %dma_wait3A_182 = arith.constant 0 : i32
    %dma_wait3A_183 = tpu.memref_slice %arg4[%select_n3A, %add3A_172, %dma_wait3A_182] : memref<4x8192x512xf32, #tpu.memory_space<hbm>> -> memref<1x64x512xf32, #tpu.memory_space<hbm>>
    %dma_wait3A_184 = tpu.memref_squeeze %dma_wait3A_183 : memref<1x64x512xf32, #tpu.memory_space<hbm>> -> memref<64x512xf32, #tpu.memory_space<hbm>>
    tpu.wait_dma2 semaphore(%arg14 : memref<!tpu.dma_semaphore, #tpu.memory_space<semaphore_mem>>) src(%arg8 : memref<64x512xf32, #tpu.memory_space<vmem>>) dst(%dma_wait3A_184 : memref<64x512xf32, #tpu.memory_space<hbm>>)
    %dma_start3A_185 = arith.constant 512 : i32
    %dma_start3A_186 = tpu.memref_slice %arg5[%dma_start3A_185] : memref<1024xi32, #tpu.memory_space<vmem>> -> memref<64xi32, #tpu.memory_space<vmem>>
    %dma_start3A_187 = arith.constant 0 : i32
    %dma_start3A_188 = arith.constant 0 : i32
    %dma_start3A_189 = tpu.memref_slice %arg3[%dma_start3A_187, %dma_start3A_188] : memref<8192x512xf32, #tpu.memory_space<hbm>> -> memref<8192x512xf32, #tpu.memory_space<hbm>>
    tpu.enqueue_indirect_dma source(%dma_start3A_189 : memref<8192x512xf32, #tpu.memory_space<hbm>>) target(%arg8 : memref<64x512xf32, #tpu.memory_space<vmem>>) offsets(%dma_start3A_186 : memref<64xi32, #tpu.memory_space<vmem>>) semaphore(%arg11 : memref<!tpu.dma_semaphore, #tpu.memory_space<semaphore_mem>>)
    %dma_wait3A_190 = arith.constant 384 : i32
    %dma_wait3A_191 = tpu.memref_slice %arg5[%dma_wait3A_190] : memref<1024xi32, #tpu.memory_space<vmem>> -> memref<64xi32, #tpu.memory_space<vmem>>
    %dma_wait3A_192 = arith.constant 0 : i32
    %dma_wait3A_193 = arith.constant 0 : i32
    %dma_wait3A_194 = tpu.memref_slice %arg3[%dma_wait3A_192, %dma_wait3A_193] : memref<8192x512xf32, #tpu.memory_space<hbm>> -> memref<8192x512xf32, #tpu.memory_space<hbm>>
    tpu.wait_indirect_dma semaphore(%arg9 : memref<!tpu.dma_semaphore, #tpu.memory_space<semaphore_mem>>) src(%dma_wait3A_194 : memref<8192x512xf32, #tpu.memory_space<hbm>>) dst(%arg6 : memref<64x512xf32, #tpu.memory_space<vmem>>)
    %add3A_195 = arith.constant 384 : i32
    %add3A_196 = arith.addi %mul3A_32, %add3A_195 : i32
    %dma_start3A_197 = arith.constant 0 : i32
    %dma_start3A_198 = tpu.memref_slice %arg4[%select_n3A, %add3A_196, %dma_start3A_197] : memref<4x8192x512xf32, #tpu.memory_space<hbm>> -> memref<1x64x512xf32, #tpu.memory_space<hbm>>
    %dma_start3A_199 = tpu.memref_squeeze %dma_start3A_198 : memref<1x64x512xf32, #tpu.memory_space<hbm>> -> memref<64x512xf32, #tpu.memory_space<hbm>>
    %dma_start3A_200 = arith.constant 0 : i32
    %dma_start3A_201 = tpu.memref_slice %arg4[%select_n3A, %add3A_196, %dma_start3A_200] : memref<4x8192x512xf32, #tpu.memory_space<hbm>> -> memref<1x64x512xf32, #tpu.memory_space<hbm>>
    %dma_start3A_202 = tpu.memref_squeeze %dma_start3A_201 : memref<1x64x512xf32, #tpu.memory_space<hbm>> -> memref<64x512xf32, #tpu.memory_space<hbm>>
    tpu.enqueue_dma source(%arg6 : memref<64x512xf32, #tpu.memory_space<vmem>>) target(%dma_start3A_202 : memref<64x512xf32, #tpu.memory_space<hbm>>) target_semaphore(%arg12 : memref<!tpu.dma_semaphore, #tpu.memory_space<semaphore_mem>>)
    %dma_wait3A_203 = arith.constant 0 : i32
    %dma_wait3A_204 = tpu.memref_slice %arg4[%select_n3A, %add3A_196, %dma_wait3A_203] : memref<4x8192x512xf32, #tpu.memory_space<hbm>> -> memref<1x64x512xf32, #tpu.memory_space<hbm>>
    %dma_wait3A_205 = tpu.memref_squeeze %dma_wait3A_204 : memref<1x64x512xf32, #tpu.memory_space<hbm>> -> memref<64x512xf32, #tpu.memory_space<hbm>>
    %dma_wait3A_206 = arith.constant 0 : i32
    %dma_wait3A_207 = tpu.memref_slice %arg4[%select_n3A, %add3A_196, %dma_wait3A_206] : memref<4x8192x512xf32, #tpu.memory_space<hbm>> -> memref<1x64x512xf32, #tpu.memory_space<hbm>>
    %dma_wait3A_208 = tpu.memref_squeeze %dma_wait3A_207 : memref<1x64x512xf32, #tpu.memory_space<hbm>> -> memref<64x512xf32, #tpu.memory_space<hbm>>
    tpu.wait_dma2 semaphore(%arg12 : memref<!tpu.dma_semaphore, #tpu.memory_space<semaphore_mem>>) src(%arg6 : memref<64x512xf32, #tpu.memory_space<vmem>>) dst(%dma_wait3A_208 : memref<64x512xf32, #tpu.memory_space<hbm>>)
    %dma_start3A_209 = arith.constant 576 : i32
    %dma_start3A_210 = tpu.memref_slice %arg5[%dma_start3A_209] : memref<1024xi32, #tpu.memory_space<vmem>> -> memref<64xi32, #tpu.memory_space<vmem>>
    %dma_start3A_211 = arith.constant 0 : i32
    %dma_start3A_212 = arith.constant 0 : i32
    %dma_start3A_213 = tpu.memref_slice %arg3[%dma_start3A_211, %dma_start3A_212] : memref<8192x512xf32, #tpu.memory_space<hbm>> -> memref<8192x512xf32, #tpu.memory_space<hbm>>
    tpu.enqueue_indirect_dma source(%dma_start3A_213 : memref<8192x512xf32, #tpu.memory_space<hbm>>) target(%arg6 : memref<64x512xf32, #tpu.memory_space<vmem>>) offsets(%dma_start3A_210 : memref<64xi32, #tpu.memory_space<vmem>>) semaphore(%arg9 : memref<!tpu.dma_semaphore, #tpu.memory_space<semaphore_mem>>)
    %dma_wait3A_214 = arith.constant 448 : i32
    %dma_wait3A_215 = tpu.memref_slice %arg5[%dma_wait3A_214] : memref<1024xi32, #tpu.memory_space<vmem>> -> memref<64xi32, #tpu.memory_space<vmem>>
    %dma_wait3A_216 = arith.constant 0 : i32
    %dma_wait3A_217 = arith.constant 0 : i32
    %dma_wait3A_218 = tpu.memref_slice %arg3[%dma_wait3A_216, %dma_wait3A_217] : memref<8192x512xf32, #tpu.memory_space<hbm>> -> memref<8192x512xf32, #tpu.memory_space<hbm>>
    tpu.wait_indirect_dma semaphore(%arg10 : memref<!tpu.dma_semaphore, #tpu.memory_space<semaphore_mem>>) src(%dma_wait3A_218 : memref<8192x512xf32, #tpu.memory_space<hbm>>) dst(%arg7 : memref<64x512xf32, #tpu.memory_space<vmem>>)
    %add3A_219 = arith.constant 448 : i32
    %add3A_220 = arith.addi %mul3A_32, %add3A_219 : i32
    %dma_start3A_221 = arith.constant 0 : i32
    %dma_start3A_222 = tpu.memref_slice %arg4[%select_n3A, %add3A_220, %dma_start3A_221] : memref<4x8192x512xf32, #tpu.memory_space<hbm>> -> memref<1x64x512xf32, #tpu.memory_space<hbm>>
    %dma_start3A_223 = tpu.memref_squeeze %dma_start3A_222 : memref<1x64x512xf32, #tpu.memory_space<hbm>> -> memref<64x512xf32, #tpu.memory_space<hbm>>
    %dma_start3A_224 = arith.constant 0 : i32
    %dma_start3A_225 = tpu.memref_slice %arg4[%select_n3A, %add3A_220, %dma_start3A_224] : memref<4x8192x512xf32, #tpu.memory_space<hbm>> -> memref<1x64x512xf32, #tpu.memory_space<hbm>>
    %dma_start3A_226 = tpu.memref_squeeze %dma_start3A_225 : memref<1x64x512xf32, #tpu.memory_space<hbm>> -> memref<64x512xf32, #tpu.memory_space<hbm>>
    tpu.enqueue_dma source(%arg7 : memref<64x512xf32, #tpu.memory_space<vmem>>) target(%dma_start3A_226 : memref<64x512xf32, #tpu.memory_space<hbm>>) target_semaphore(%arg13 : memref<!tpu.dma_semaphore, #tpu.memory_space<semaphore_mem>>)
    %dma_wait3A_227 = arith.constant 0 : i32
    %dma_wait3A_228 = tpu.memref_slice %arg4[%select_n3A, %add3A_220, %dma_wait3A_227] : memref<4x8192x512xf32, #tpu.memory_space<hbm>> -> memref<1x64x512xf32, #tpu.memory_space<hbm>>
    %dma_wait3A_229 = tpu.memref_squeeze %dma_wait3A_228 : memref<1x64x512xf32, #tpu.memory_space<hbm>> -> memref<64x512xf32, #tpu.memory_space<hbm>>
    %dma_wait3A_230 = arith.constant 0 : i32
    %dma_wait3A_231 = tpu.memref_slice %arg4[%select_n3A, %add3A_220, %dma_wait3A_230] : memref<4x8192x512xf32, #tpu.memory_space<hbm>> -> memref<1x64x512xf32, #tpu.memory_space<hbm>>
    %dma_wait3A_232 = tpu.memref_squeeze %dma_wait3A_231 : memref<1x64x512xf32, #tpu.memory_space<hbm>> -> memref<64x512xf32, #tpu.memory_space<hbm>>
    tpu.wait_dma2 semaphore(%arg13 : memref<!tpu.dma_semaphore, #tpu.memory_space<semaphore_mem>>) src(%arg7 : memref<64x512xf32, #tpu.memory_space<vmem>>) dst(%dma_wait3A_232 : memref<64x512xf32, #tpu.memory_space<hbm>>)
    %dma_start3A_233 = arith.constant 640 : i32
    %dma_start3A_234 = tpu.memref_slice %arg5[%dma_start3A_233] : memref<1024xi32, #tpu.memory_space<vmem>> -> memref<64xi32, #tpu.memory_space<vmem>>
    %dma_start3A_235 = arith.constant 0 : i32
    %dma_start3A_236 = arith.constant 0 : i32
    %dma_start3A_237 = tpu.memref_slice %arg3[%dma_start3A_235, %dma_start3A_236] : memref<8192x512xf32, #tpu.memory_space<hbm>> -> memref<8192x512xf32, #tpu.memory_space<hbm>>
    tpu.enqueue_indirect_dma source(%dma_start3A_237 : memref<8192x512xf32, #tpu.memory_space<hbm>>) target(%arg7 : memref<64x512xf32, #tpu.memory_space<vmem>>) offsets(%dma_start3A_234 : memref<64xi32, #tpu.memory_space<vmem>>) semaphore(%arg10 : memref<!tpu.dma_semaphore, #tpu.memory_space<semaphore_mem>>)
    %dma_wait3A_238 = arith.constant 512 : i32
    %dma_wait3A_239 = tpu.memref_slice %arg5[%dma_wait3A_238] : memref<1024xi32, #tpu.memory_space<vmem>> -> memref<64xi32, #tpu.memory_space<vmem>>
    %dma_wait3A_240 = arith.constant 0 : i32
    %dma_wait3A_241 = arith.constant 0 : i32
    %dma_wait3A_242 = tpu.memref_slice %arg3[%dma_wait3A_240, %dma_wait3A_241] : memref<8192x512xf32, #tpu.memory_space<hbm>> -> memref<8192x512xf32, #tpu.memory_space<hbm>>
    tpu.wait_indirect_dma semaphore(%arg11 : memref<!tpu.dma_semaphore, #tpu.memory_space<semaphore_mem>>) src(%dma_wait3A_242 : memref<8192x512xf32, #tpu.memory_space<hbm>>) dst(%arg8 : memref<64x512xf32, #tpu.memory_space<vmem>>)
    %add3A_243 = arith.constant 512 : i32
    %add3A_244 = arith.addi %mul3A_32, %add3A_243 : i32
    %dma_start3A_245 = arith.constant 0 : i32
    %dma_start3A_246 = tpu.memref_slice %arg4[%select_n3A, %add3A_244, %dma_start3A_245] : memref<4x8192x512xf32, #tpu.memory_space<hbm>> -> memref<1x64x512xf32, #tpu.memory_space<hbm>>
    %dma_start3A_247 = tpu.memref_squeeze %dma_start3A_246 : memref<1x64x512xf32, #tpu.memory_space<hbm>> -> memref<64x512xf32, #tpu.memory_space<hbm>>
    %dma_start3A_248 = arith.constant 0 : i32
    %dma_start3A_249 = tpu.memref_slice %arg4[%select_n3A, %add3A_244, %dma_start3A_248] : memref<4x8192x512xf32, #tpu.memory_space<hbm>> -> memref<1x64x512xf32, #tpu.memory_space<hbm>>
    %dma_start3A_250 = tpu.memref_squeeze %dma_start3A_249 : memref<1x64x512xf32, #tpu.memory_space<hbm>> -> memref<64x512xf32, #tpu.memory_space<hbm>>
    tpu.enqueue_dma source(%arg8 : memref<64x512xf32, #tpu.memory_space<vmem>>) target(%dma_start3A_250 : memref<64x512xf32, #tpu.memory_space<hbm>>) target_semaphore(%arg14 : memref<!tpu.dma_semaphore, #tpu.memory_space<semaphore_mem>>)
    %dma_wait3A_251 = arith.constant 0 : i32
    %dma_wait3A_252 = tpu.memref_slice %arg4[%select_n3A, %add3A_244, %dma_wait3A_251] : memref<4x8192x512xf32, #tpu.memory_space<hbm>> -> memref<1x64x512xf32, #tpu.memory_space<hbm>>
    %dma_wait3A_253 = tpu.memref_squeeze %dma_wait3A_252 : memref<1x64x512xf32, #tpu.memory_space<hbm>> -> memref<64x512xf32, #tpu.memory_space<hbm>>
    %dma_wait3A_254 = arith.constant 0 : i32
    %dma_wait3A_255 = tpu.memref_slice %arg4[%select_n3A, %add3A_244, %dma_wait3A_254] : memref<4x8192x512xf32, #tpu.memory_space<hbm>> -> memref<1x64x512xf32, #tpu.memory_space<hbm>>
    %dma_wait3A_256 = tpu.memref_squeeze %dma_wait3A_255 : memref<1x64x512xf32, #tpu.memory_space<hbm>> -> memref<64x512xf32, #tpu.memory_space<hbm>>
    tpu.wait_dma2 semaphore(%arg14 : memref<!tpu.dma_semaphore, #tpu.memory_space<semaphore_mem>>) src(%arg8 : memref<64x512xf32, #tpu.memory_space<vmem>>) dst(%dma_wait3A_256 : memref<64x512xf32, #tpu.memory_space<hbm>>)
    %dma_start3A_257 = arith.constant 704 : i32
    %dma_start3A_258 = tpu.memref_slice %arg5[%dma_start3A_257] : memref<1024xi32, #tpu.memory_space<vmem>> -> memref<64xi32, #tpu.memory_space<vmem>>
    %dma_start3A_259 = arith.constant 0 : i32
    %dma_start3A_260 = arith.constant 0 : i32
    %dma_start3A_261 = tpu.memref_slice %arg3[%dma_start3A_259, %dma_start3A_260] : memref<8192x512xf32, #tpu.memory_space<hbm>> -> memref<8192x512xf32, #tpu.memory_space<hbm>>
    tpu.enqueue_indirect_dma source(%dma_start3A_261 : memref<8192x512xf32, #tpu.memory_space<hbm>>) target(%arg8 : memref<64x512xf32, #tpu.memory_space<vmem>>) offsets(%dma_start3A_258 : memref<64xi32, #tpu.memory_space<vmem>>) semaphore(%arg11 : memref<!tpu.dma_semaphore, #tpu.memory_space<semaphore_mem>>)
    %dma_wait3A_262 = arith.constant 576 : i32
    %dma_wait3A_263 = tpu.memref_slice %arg5[%dma_wait3A_262] : memref<1024xi32, #tpu.memory_space<vmem>> -> memref<64xi32, #tpu.memory_space<vmem>>
    %dma_wait3A_264 = arith.constant 0 : i32
    %dma_wait3A_265 = arith.constant 0 : i32
    %dma_wait3A_266 = tpu.memref_slice %arg3[%dma_wait3A_264, %dma_wait3A_265] : memref<8192x512xf32, #tpu.memory_space<hbm>> -> memref<8192x512xf32, #tpu.memory_space<hbm>>
    tpu.wait_indirect_dma semaphore(%arg9 : memref<!tpu.dma_semaphore, #tpu.memory_space<semaphore_mem>>) src(%dma_wait3A_266 : memref<8192x512xf32, #tpu.memory_space<hbm>>) dst(%arg6 : memref<64x512xf32, #tpu.memory_space<vmem>>)
    %add3A_267 = arith.constant 576 : i32
    %add3A_268 = arith.addi %mul3A_32, %add3A_267 : i32
    %dma_start3A_269 = arith.constant 0 : i32
    %dma_start3A_270 = tpu.memref_slice %arg4[%select_n3A, %add3A_268, %dma_start3A_269] : memref<4x8192x512xf32, #tpu.memory_space<hbm>> -> memref<1x64x512xf32, #tpu.memory_space<hbm>>
    %dma_start3A_271 = tpu.memref_squeeze %dma_start3A_270 : memref<1x64x512xf32, #tpu.memory_space<hbm>> -> memref<64x512xf32, #tpu.memory_space<hbm>>
    %dma_start3A_272 = arith.constant 0 : i32
    %dma_start3A_273 = tpu.memref_slice %arg4[%select_n3A, %add3A_268, %dma_start3A_272] : memref<4x8192x512xf32, #tpu.memory_space<hbm>> -> memref<1x64x512xf32, #tpu.memory_space<hbm>>
    %dma_start3A_274 = tpu.memref_squeeze %dma_start3A_273 : memref<1x64x512xf32, #tpu.memory_space<hbm>> -> memref<64x512xf32, #tpu.memory_space<hbm>>
    tpu.enqueue_dma source(%arg6 : memref<64x512xf32, #tpu.memory_space<vmem>>) target(%dma_start3A_274 : memref<64x512xf32, #tpu.memory_space<hbm>>) target_semaphore(%arg12 : memref<!tpu.dma_semaphore, #tpu.memory_space<semaphore_mem>>)
    %dma_wait3A_275 = arith.constant 0 : i32
    %dma_wait3A_276 = tpu.memref_slice %arg4[%select_n3A, %add3A_268, %dma_wait3A_275] : memref<4x8192x512xf32, #tpu.memory_space<hbm>> -> memref<1x64x512xf32, #tpu.memory_space<hbm>>
    %dma_wait3A_277 = tpu.memref_squeeze %dma_wait3A_276 : memref<1x64x512xf32, #tpu.memory_space<hbm>> -> memref<64x512xf32, #tpu.memory_space<hbm>>
    %dma_wait3A_278 = arith.constant 0 : i32
    %dma_wait3A_279 = tpu.memref_slice %arg4[%select_n3A, %add3A_268, %dma_wait3A_278] : memref<4x8192x512xf32, #tpu.memory_space<hbm>> -> memref<1x64x512xf32, #tpu.memory_space<hbm>>
    %dma_wait3A_280 = tpu.memref_squeeze %dma_wait3A_279 : memref<1x64x512xf32, #tpu.memory_space<hbm>> -> memref<64x512xf32, #tpu.memory_space<hbm>>
    tpu.wait_dma2 semaphore(%arg12 : memref<!tpu.dma_semaphore, #tpu.memory_space<semaphore_mem>>) src(%arg6 : memref<64x512xf32, #tpu.memory_space<vmem>>) dst(%dma_wait3A_280 : memref<64x512xf32, #tpu.memory_space<hbm>>)
    %dma_start3A_281 = arith.constant 768 : i32
    %dma_start3A_282 = tpu.memref_slice %arg5[%dma_start3A_281] : memref<1024xi32, #tpu.memory_space<vmem>> -> memref<64xi32, #tpu.memory_space<vmem>>
    %dma_start3A_283 = arith.constant 0 : i32
    %dma_start3A_284 = arith.constant 0 : i32
    %dma_start3A_285 = tpu.memref_slice %arg3[%dma_start3A_283, %dma_start3A_284] : memref<8192x512xf32, #tpu.memory_space<hbm>> -> memref<8192x512xf32, #tpu.memory_space<hbm>>
    tpu.enqueue_indirect_dma source(%dma_start3A_285 : memref<8192x512xf32, #tpu.memory_space<hbm>>) target(%arg6 : memref<64x512xf32, #tpu.memory_space<vmem>>) offsets(%dma_start3A_282 : memref<64xi32, #tpu.memory_space<vmem>>) semaphore(%arg9 : memref<!tpu.dma_semaphore, #tpu.memory_space<semaphore_mem>>)
    %dma_wait3A_286 = arith.constant 640 : i32
    %dma_wait3A_287 = tpu.memref_slice %arg5[%dma_wait3A_286] : memref<1024xi32, #tpu.memory_space<vmem>> -> memref<64xi32, #tpu.memory_space<vmem>>
    %dma_wait3A_288 = arith.constant 0 : i32
    %dma_wait3A_289 = arith.constant 0 : i32
    %dma_wait3A_290 = tpu.memref_slice %arg3[%dma_wait3A_288, %dma_wait3A_289] : memref<8192x512xf32, #tpu.memory_space<hbm>> -> memref<8192x512xf32, #tpu.memory_space<hbm>>
    tpu.wait_indirect_dma semaphore(%arg10 : memref<!tpu.dma_semaphore, #tpu.memory_space<semaphore_mem>>) src(%dma_wait3A_290 : memref<8192x512xf32, #tpu.memory_space<hbm>>) dst(%arg7 : memref<64x512xf32, #tpu.memory_space<vmem>>)
    %add3A_291 = arith.constant 640 : i32
    %add3A_292 = arith.addi %mul3A_32, %add3A_291 : i32
    %dma_start3A_293 = arith.constant 0 : i32
    %dma_start3A_294 = tpu.memref_slice %arg4[%select_n3A, %add3A_292, %dma_start3A_293] : memref<4x8192x512xf32, #tpu.memory_space<hbm>> -> memref<1x64x512xf32, #tpu.memory_space<hbm>>
    %dma_start3A_295 = tpu.memref_squeeze %dma_start3A_294 : memref<1x64x512xf32, #tpu.memory_space<hbm>> -> memref<64x512xf32, #tpu.memory_space<hbm>>
    %dma_start3A_296 = arith.constant 0 : i32
    %dma_start3A_297 = tpu.memref_slice %arg4[%select_n3A, %add3A_292, %dma_start3A_296] : memref<4x8192x512xf32, #tpu.memory_space<hbm>> -> memref<1x64x512xf32, #tpu.memory_space<hbm>>
    %dma_start3A_298 = tpu.memref_squeeze %dma_start3A_297 : memref<1x64x512xf32, #tpu.memory_space<hbm>> -> memref<64x512xf32, #tpu.memory_space<hbm>>
    tpu.enqueue_dma source(%arg7 : memref<64x512xf32, #tpu.memory_space<vmem>>) target(%dma_start3A_298 : memref<64x512xf32, #tpu.memory_space<hbm>>) target_semaphore(%arg13 : memref<!tpu.dma_semaphore, #tpu.memory_space<semaphore_mem>>)
    %dma_wait3A_299 = arith.constant 0 : i32
    %dma_wait3A_300 = tpu.memref_slice %arg4[%select_n3A, %add3A_292, %dma_wait3A_299] : memref<4x8192x512xf32, #tpu.memory_space<hbm>> -> memref<1x64x512xf32, #tpu.memory_space<hbm>>
    %dma_wait3A_301 = tpu.memref_squeeze %dma_wait3A_300 : memref<1x64x512xf32, #tpu.memory_space<hbm>> -> memref<64x512xf32, #tpu.memory_space<hbm>>
    %dma_wait3A_302 = arith.constant 0 : i32
    %dma_wait3A_303 = tpu.memref_slice %arg4[%select_n3A, %add3A_292, %dma_wait3A_302] : memref<4x8192x512xf32, #tpu.memory_space<hbm>> -> memref<1x64x512xf32, #tpu.memory_space<hbm>>
    %dma_wait3A_304 = tpu.memref_squeeze %dma_wait3A_303 : memref<1x64x512xf32, #tpu.memory_space<hbm>> -> memref<64x512xf32, #tpu.memory_space<hbm>>
    tpu.wait_dma2 semaphore(%arg13 : memref<!tpu.dma_semaphore, #tpu.memory_space<semaphore_mem>>) src(%arg7 : memref<64x512xf32, #tpu.memory_space<vmem>>) dst(%dma_wait3A_304 : memref<64x512xf32, #tpu.memory_space<hbm>>)
    %dma_start3A_305 = arith.constant 832 : i32
    %dma_start3A_306 = tpu.memref_slice %arg5[%dma_start3A_305] : memref<1024xi32, #tpu.memory_space<vmem>> -> memref<64xi32, #tpu.memory_space<vmem>>
    %dma_start3A_307 = arith.constant 0 : i32
    %dma_start3A_308 = arith.constant 0 : i32
    %dma_start3A_309 = tpu.memref_slice %arg3[%dma_start3A_307, %dma_start3A_308] : memref<8192x512xf32, #tpu.memory_space<hbm>> -> memref<8192x512xf32, #tpu.memory_space<hbm>>
    tpu.enqueue_indirect_dma source(%dma_start3A_309 : memref<8192x512xf32, #tpu.memory_space<hbm>>) target(%arg7 : memref<64x512xf32, #tpu.memory_space<vmem>>) offsets(%dma_start3A_306 : memref<64xi32, #tpu.memory_space<vmem>>) semaphore(%arg10 : memref<!tpu.dma_semaphore, #tpu.memory_space<semaphore_mem>>)
    %dma_wait3A_310 = arith.constant 704 : i32
    %dma_wait3A_311 = tpu.memref_slice %arg5[%dma_wait3A_310] : memref<1024xi32, #tpu.memory_space<vmem>> -> memref<64xi32, #tpu.memory_space<vmem>>
    %dma_wait3A_312 = arith.constant 0 : i32
    %dma_wait3A_313 = arith.constant 0 : i32
    %dma_wait3A_314 = tpu.memref_slice %arg3[%dma_wait3A_312, %dma_wait3A_313] : memref<8192x512xf32, #tpu.memory_space<hbm>> -> memref<8192x512xf32, #tpu.memory_space<hbm>>
    tpu.wait_indirect_dma semaphore(%arg11 : memref<!tpu.dma_semaphore, #tpu.memory_space<semaphore_mem>>) src(%dma_wait3A_314 : memref<8192x512xf32, #tpu.memory_space<hbm>>) dst(%arg8 : memref<64x512xf32, #tpu.memory_space<vmem>>)
    %add3A_315 = arith.constant 704 : i32
    %add3A_316 = arith.addi %mul3A_32, %add3A_315 : i32
    %dma_start3A_317 = arith.constant 0 : i32
    %dma_start3A_318 = tpu.memref_slice %arg4[%select_n3A, %add3A_316, %dma_start3A_317] : memref<4x8192x512xf32, #tpu.memory_space<hbm>> -> memref<1x64x512xf32, #tpu.memory_space<hbm>>
    %dma_start3A_319 = tpu.memref_squeeze %dma_start3A_318 : memref<1x64x512xf32, #tpu.memory_space<hbm>> -> memref<64x512xf32, #tpu.memory_space<hbm>>
    %dma_start3A_320 = arith.constant 0 : i32
    %dma_start3A_321 = tpu.memref_slice %arg4[%select_n3A, %add3A_316, %dma_start3A_320] : memref<4x8192x512xf32, #tpu.memory_space<hbm>> -> memref<1x64x512xf32, #tpu.memory_space<hbm>>
    %dma_start3A_322 = tpu.memref_squeeze %dma_start3A_321 : memref<1x64x512xf32, #tpu.memory_space<hbm>> -> memref<64x512xf32, #tpu.memory_space<hbm>>
    tpu.enqueue_dma source(%arg8 : memref<64x512xf32, #tpu.memory_space<vmem>>) target(%dma_start3A_322 : memref<64x512xf32, #tpu.memory_space<hbm>>) target_semaphore(%arg14 : memref<!tpu.dma_semaphore, #tpu.memory_space<semaphore_mem>>)
    %dma_wait3A_323 = arith.constant 0 : i32
    %dma_wait3A_324 = tpu.memref_slice %arg4[%select_n3A, %add3A_316, %dma_wait3A_323] : memref<4x8192x512xf32, #tpu.memory_space<hbm>> -> memref<1x64x512xf32, #tpu.memory_space<hbm>>
    %dma_wait3A_325 = tpu.memref_squeeze %dma_wait3A_324 : memref<1x64x512xf32, #tpu.memory_space<hbm>> -> memref<64x512xf32, #tpu.memory_space<hbm>>
    %dma_wait3A_326 = arith.constant 0 : i32
    %dma_wait3A_327 = tpu.memref_slice %arg4[%select_n3A, %add3A_316, %dma_wait3A_326] : memref<4x8192x512xf32, #tpu.memory_space<hbm>> -> memref<1x64x512xf32, #tpu.memory_space<hbm>>
    %dma_wait3A_328 = tpu.memref_squeeze %dma_wait3A_327 : memref<1x64x512xf32, #tpu.memory_space<hbm>> -> memref<64x512xf32, #tpu.memory_space<hbm>>
    tpu.wait_dma2 semaphore(%arg14 : memref<!tpu.dma_semaphore, #tpu.memory_space<semaphore_mem>>) src(%arg8 : memref<64x512xf32, #tpu.memory_space<vmem>>) dst(%dma_wait3A_328 : memref<64x512xf32, #tpu.memory_space<hbm>>)
    %dma_start3A_329 = arith.constant 896 : i32
    %dma_start3A_330 = tpu.memref_slice %arg5[%dma_start3A_329] : memref<1024xi32, #tpu.memory_space<vmem>> -> memref<64xi32, #tpu.memory_space<vmem>>
    %dma_start3A_331 = arith.constant 0 : i32
    %dma_start3A_332 = arith.constant 0 : i32
    %dma_start3A_333 = tpu.memref_slice %arg3[%dma_start3A_331, %dma_start3A_332] : memref<8192x512xf32, #tpu.memory_space<hbm>> -> memref<8192x512xf32, #tpu.memory_space<hbm>>
    tpu.enqueue_indirect_dma source(%dma_start3A_333 : memref<8192x512xf32, #tpu.memory_space<hbm>>) target(%arg8 : memref<64x512xf32, #tpu.memory_space<vmem>>) offsets(%dma_start3A_330 : memref<64xi32, #tpu.memory_space<vmem>>) semaphore(%arg11 : memref<!tpu.dma_semaphore, #tpu.memory_space<semaphore_mem>>)
    %dma_wait3A_334 = arith.constant 768 : i32
    %dma_wait3A_335 = tpu.memref_slice %arg5[%dma_wait3A_334] : memref<1024xi32, #tpu.memory_space<vmem>> -> memref<64xi32, #tpu.memory_space<vmem>>
    %dma_wait3A_336 = arith.constant 0 : i32
    %dma_wait3A_337 = arith.constant 0 : i32
    %dma_wait3A_338 = tpu.memref_slice %arg3[%dma_wait3A_336, %dma_wait3A_337] : memref<8192x512xf32, #tpu.memory_space<hbm>> -> memref<8192x512xf32, #tpu.memory_space<hbm>>
    tpu.wait_indirect_dma semaphore(%arg9 : memref<!tpu.dma_semaphore, #tpu.memory_space<semaphore_mem>>) src(%dma_wait3A_338 : memref<8192x512xf32, #tpu.memory_space<hbm>>) dst(%arg6 : memref<64x512xf32, #tpu.memory_space<vmem>>)
    %add3A_339 = arith.constant 768 : i32
    %add3A_340 = arith.addi %mul3A_32, %add3A_339 : i32
    %dma_start3A_341 = arith.constant 0 : i32
    %dma_start3A_342 = tpu.memref_slice %arg4[%select_n3A, %add3A_340, %dma_start3A_341] : memref<4x8192x512xf32, #tpu.memory_space<hbm>> -> memref<1x64x512xf32, #tpu.memory_space<hbm>>
    %dma_start3A_343 = tpu.memref_squeeze %dma_start3A_342 : memref<1x64x512xf32, #tpu.memory_space<hbm>> -> memref<64x512xf32, #tpu.memory_space<hbm>>
    %dma_start3A_344 = arith.constant 0 : i32
    %dma_start3A_345 = tpu.memref_slice %arg4[%select_n3A, %add3A_340, %dma_start3A_344] : memref<4x8192x512xf32, #tpu.memory_space<hbm>> -> memref<1x64x512xf32, #tpu.memory_space<hbm>>
    %dma_start3A_346 = tpu.memref_squeeze %dma_start3A_345 : memref<1x64x512xf32, #tpu.memory_space<hbm>> -> memref<64x512xf32, #tpu.memory_space<hbm>>
    tpu.enqueue_dma source(%arg6 : memref<64x512xf32, #tpu.memory_space<vmem>>) target(%dma_start3A_346 : memref<64x512xf32, #tpu.memory_space<hbm>>) target_semaphore(%arg12 : memref<!tpu.dma_semaphore, #tpu.memory_space<semaphore_mem>>)
    %dma_wait3A_347 = arith.constant 0 : i32
    %dma_wait3A_348 = tpu.memref_slice %arg4[%select_n3A, %add3A_340, %dma_wait3A_347] : memref<4x8192x512xf32, #tpu.memory_space<hbm>> -> memref<1x64x512xf32, #tpu.memory_space<hbm>>
    %dma_wait3A_349 = tpu.memref_squeeze %dma_wait3A_348 : memref<1x64x512xf32, #tpu.memory_space<hbm>> -> memref<64x512xf32, #tpu.memory_space<hbm>>
    %dma_wait3A_350 = arith.constant 0 : i32
    %dma_wait3A_351 = tpu.memref_slice %arg4[%select_n3A, %add3A_340, %dma_wait3A_350] : memref<4x8192x512xf32, #tpu.memory_space<hbm>> -> memref<1x64x512xf32, #tpu.memory_space<hbm>>
    %dma_wait3A_352 = tpu.memref_squeeze %dma_wait3A_351 : memref<1x64x512xf32, #tpu.memory_space<hbm>> -> memref<64x512xf32, #tpu.memory_space<hbm>>
    tpu.wait_dma2 semaphore(%arg12 : memref<!tpu.dma_semaphore, #tpu.memory_space<semaphore_mem>>) src(%arg6 : memref<64x512xf32, #tpu.memory_space<vmem>>) dst(%dma_wait3A_352 : memref<64x512xf32, #tpu.memory_space<hbm>>)
    %dma_start3A_353 = arith.constant 960 : i32
    %dma_start3A_354 = tpu.memref_slice %arg5[%dma_start3A_353] : memref<1024xi32, #tpu.memory_space<vmem>> -> memref<64xi32, #tpu.memory_space<vmem>>
    %dma_start3A_355 = arith.constant 0 : i32
    %dma_start3A_356 = arith.constant 0 : i32
    %dma_start3A_357 = tpu.memref_slice %arg3[%dma_start3A_355, %dma_start3A_356] : memref<8192x512xf32, #tpu.memory_space<hbm>> -> memref<8192x512xf32, #tpu.memory_space<hbm>>
    tpu.enqueue_indirect_dma source(%dma_start3A_357 : memref<8192x512xf32, #tpu.memory_space<hbm>>) target(%arg6 : memref<64x512xf32, #tpu.memory_space<vmem>>) offsets(%dma_start3A_354 : memref<64xi32, #tpu.memory_space<vmem>>) semaphore(%arg9 : memref<!tpu.dma_semaphore, #tpu.memory_space<semaphore_mem>>)
    %dma_wait3A_358 = arith.constant 832 : i32
    %dma_wait3A_359 = tpu.memref_slice %arg5[%dma_wait3A_358] : memref<1024xi32, #tpu.memory_space<vmem>> -> memref<64xi32, #tpu.memory_space<vmem>>
    %dma_wait3A_360 = arith.constant 0 : i32
    %dma_wait3A_361 = arith.constant 0 : i32
    %dma_wait3A_362 = tpu.memref_slice %arg3[%dma_wait3A_360, %dma_wait3A_361] : memref<8192x512xf32, #tpu.memory_space<hbm>> -> memref<8192x512xf32, #tpu.memory_space<hbm>>
    tpu.wait_indirect_dma semaphore(%arg10 : memref<!tpu.dma_semaphore, #tpu.memory_space<semaphore_mem>>) src(%dma_wait3A_362 : memref<8192x512xf32, #tpu.memory_space<hbm>>) dst(%arg7 : memref<64x512xf32, #tpu.memory_space<vmem>>)
    %add3A_363 = arith.constant 832 : i32
    %add3A_364 = arith.addi %mul3A_32, %add3A_363 : i32
    %dma_start3A_365 = arith.constant 0 : i32
    %dma_start3A_366 = tpu.memref_slice %arg4[%select_n3A, %add3A_364, %dma_start3A_365] : memref<4x8192x512xf32, #tpu.memory_space<hbm>> -> memref<1x64x512xf32, #tpu.memory_space<hbm>>
    %dma_start3A_367 = tpu.memref_squeeze %dma_start3A_366 : memref<1x64x512xf32, #tpu.memory_space<hbm>> -> memref<64x512xf32, #tpu.memory_space<hbm>>
    %dma_start3A_368 = arith.constant 0 : i32
    %dma_start3A_369 = tpu.memref_slice %arg4[%select_n3A, %add3A_364, %dma_start3A_368] : memref<4x8192x512xf32, #tpu.memory_space<hbm>> -> memref<1x64x512xf32, #tpu.memory_space<hbm>>
    %dma_start3A_370 = tpu.memref_squeeze %dma_start3A_369 : memref<1x64x512xf32, #tpu.memory_space<hbm>> -> memref<64x512xf32, #tpu.memory_space<hbm>>
    tpu.enqueue_dma source(%arg7 : memref<64x512xf32, #tpu.memory_space<vmem>>) target(%dma_start3A_370 : memref<64x512xf32, #tpu.memory_space<hbm>>) target_semaphore(%arg13 : memref<!tpu.dma_semaphore, #tpu.memory_space<semaphore_mem>>)
    %dma_wait3A_371 = arith.constant 896 : i32
    %dma_wait3A_372 = tpu.memref_slice %arg5[%dma_wait3A_371] : memref<1024xi32, #tpu.memory_space<vmem>> -> memref<64xi32, #tpu.memory_space<vmem>>
    %dma_wait3A_373 = arith.constant 0 : i32
    %dma_wait3A_374 = arith.constant 0 : i32
    %dma_wait3A_375 = tpu.memref_slice %arg3[%dma_wait3A_373, %dma_wait3A_374] : memref<8192x512xf32, #tpu.memory_space<hbm>> -> memref<8192x512xf32, #tpu.memory_space<hbm>>
    tpu.wait_indirect_dma semaphore(%arg11 : memref<!tpu.dma_semaphore, #tpu.memory_space<semaphore_mem>>) src(%dma_wait3A_375 : memref<8192x512xf32, #tpu.memory_space<hbm>>) dst(%arg8 : memref<64x512xf32, #tpu.memory_space<vmem>>)
    %add3A_376 = arith.constant 896 : i32
    %add3A_377 = arith.addi %mul3A_32, %add3A_376 : i32
    %dma_start3A_378 = arith.constant 0 : i32
    %dma_start3A_379 = tpu.memref_slice %arg4[%select_n3A, %add3A_377, %dma_start3A_378] : memref<4x8192x512xf32, #tpu.memory_space<hbm>> -> memref<1x64x512xf32, #tpu.memory_space<hbm>>
    %dma_start3A_380 = tpu.memref_squeeze %dma_start3A_379 : memref<1x64x512xf32, #tpu.memory_space<hbm>> -> memref<64x512xf32, #tpu.memory_space<hbm>>
    %dma_start3A_381 = arith.constant 0 : i32
    %dma_start3A_382 = tpu.memref_slice %arg4[%select_n3A, %add3A_377, %dma_start3A_381] : memref<4x8192x512xf32, #tpu.memory_space<hbm>> -> memref<1x64x512xf32, #tpu.memory_space<hbm>>
    %dma_start3A_383 = tpu.memref_squeeze %dma_start3A_382 : memref<1x64x512xf32, #tpu.memory_space<hbm>> -> memref<64x512xf32, #tpu.memory_space<hbm>>
    tpu.enqueue_dma source(%arg8 : memref<64x512xf32, #tpu.memory_space<vmem>>) target(%dma_start3A_383 : memref<64x512xf32, #tpu.memory_space<hbm>>) target_semaphore(%arg14 : memref<!tpu.dma_semaphore, #tpu.memory_space<semaphore_mem>>)
    %dma_wait3A_384 = arith.constant 960 : i32
    %dma_wait3A_385 = tpu.memref_slice %arg5[%dma_wait3A_384] : memref<1024xi32, #tpu.memory_space<vmem>> -> memref<64xi32, #tpu.memory_space<vmem>>
    %dma_wait3A_386 = arith.constant 0 : i32
    %dma_wait3A_387 = arith.constant 0 : i32
    %dma_wait3A_388 = tpu.memref_slice %arg3[%dma_wait3A_386, %dma_wait3A_387] : memref<8192x512xf32, #tpu.memory_space<hbm>> -> memref<8192x512xf32, #tpu.memory_space<hbm>>
    tpu.wait_indirect_dma semaphore(%arg9 : memref<!tpu.dma_semaphore, #tpu.memory_space<semaphore_mem>>) src(%dma_wait3A_388 : memref<8192x512xf32, #tpu.memory_space<hbm>>) dst(%arg6 : memref<64x512xf32, #tpu.memory_space<vmem>>)
    %add3A_389 = arith.constant 960 : i32
    %add3A_390 = arith.addi %mul3A_32, %add3A_389 : i32
    %dma_start3A_391 = arith.constant 0 : i32
    %dma_start3A_392 = tpu.memref_slice %arg4[%select_n3A, %add3A_390, %dma_start3A_391] : memref<4x8192x512xf32, #tpu.memory_space<hbm>> -> memref<1x64x512xf32, #tpu.memory_space<hbm>>
    %dma_start3A_393 = tpu.memref_squeeze %dma_start3A_392 : memref<1x64x512xf32, #tpu.memory_space<hbm>> -> memref<64x512xf32, #tpu.memory_space<hbm>>
    %dma_start3A_394 = arith.constant 0 : i32
    %dma_start3A_395 = tpu.memref_slice %arg4[%select_n3A, %add3A_390, %dma_start3A_394] : memref<4x8192x512xf32, #tpu.memory_space<hbm>> -> memref<1x64x512xf32, #tpu.memory_space<hbm>>
    %dma_start3A_396 = tpu.memref_squeeze %dma_start3A_395 : memref<1x64x512xf32, #tpu.memory_space<hbm>> -> memref<64x512xf32, #tpu.memory_space<hbm>>
    tpu.enqueue_dma source(%arg6 : memref<64x512xf32, #tpu.memory_space<vmem>>) target(%dma_start3A_396 : memref<64x512xf32, #tpu.memory_space<hbm>>) target_semaphore(%arg12 : memref<!tpu.dma_semaphore, #tpu.memory_space<semaphore_mem>>)
    %dma_wait3A_397 = arith.constant 0 : i32
    %dma_wait3A_398 = tpu.memref_slice %arg4[%select_n3A, %add3A_390, %dma_wait3A_397] : memref<4x8192x512xf32, #tpu.memory_space<hbm>> -> memref<1x64x512xf32, #tpu.memory_space<hbm>>
    %dma_wait3A_399 = tpu.memref_squeeze %dma_wait3A_398 : memref<1x64x512xf32, #tpu.memory_space<hbm>> -> memref<64x512xf32, #tpu.memory_space<hbm>>
    %dma_wait3A_400 = arith.constant 0 : i32
    %dma_wait3A_401 = tpu.memref_slice %arg4[%select_n3A, %add3A_390, %dma_wait3A_400] : memref<4x8192x512xf32, #tpu.memory_space<hbm>> -> memref<1x64x512xf32, #tpu.memory_space<hbm>>
    %dma_wait3A_402 = tpu.memref_squeeze %dma_wait3A_401 : memref<1x64x512xf32, #tpu.memory_space<hbm>> -> memref<64x512xf32, #tpu.memory_space<hbm>>
    tpu.wait_dma2 semaphore(%arg12 : memref<!tpu.dma_semaphore, #tpu.memory_space<semaphore_mem>>) src(%arg6 : memref<64x512xf32, #tpu.memory_space<vmem>>) dst(%dma_wait3A_402 : memref<64x512xf32, #tpu.memory_space<hbm>>)
    %dma_wait3A_403 = arith.constant 0 : i32
    %dma_wait3A_404 = tpu.memref_slice %arg4[%select_n3A, %add3A_364, %dma_wait3A_403] : memref<4x8192x512xf32, #tpu.memory_space<hbm>> -> memref<1x64x512xf32, #tpu.memory_space<hbm>>
    %dma_wait3A_405 = tpu.memref_squeeze %dma_wait3A_404 : memref<1x64x512xf32, #tpu.memory_space<hbm>> -> memref<64x512xf32, #tpu.memory_space<hbm>>
    %dma_wait3A_406 = arith.constant 0 : i32
    %dma_wait3A_407 = tpu.memref_slice %arg4[%select_n3A, %add3A_364, %dma_wait3A_406] : memref<4x8192x512xf32, #tpu.memory_space<hbm>> -> memref<1x64x512xf32, #tpu.memory_space<hbm>>
    %dma_wait3A_408 = tpu.memref_squeeze %dma_wait3A_407 : memref<1x64x512xf32, #tpu.memory_space<hbm>> -> memref<64x512xf32, #tpu.memory_space<hbm>>
    tpu.wait_dma2 semaphore(%arg13 : memref<!tpu.dma_semaphore, #tpu.memory_space<semaphore_mem>>) src(%arg7 : memref<64x512xf32, #tpu.memory_space<vmem>>) dst(%dma_wait3A_408 : memref<64x512xf32, #tpu.memory_space<hbm>>)
    %dma_wait3A_409 = arith.constant 0 : i32
    %dma_wait3A_410 = tpu.memref_slice %arg4[%select_n3A, %add3A_377, %dma_wait3A_409] : memref<4x8192x512xf32, #tpu.memory_space<hbm>> -> memref<1x64x512xf32, #tpu.memory_space<hbm>>
    %dma_wait3A_411 = tpu.memref_squeeze %dma_wait3A_410 : memref<1x64x512xf32, #tpu.memory_space<hbm>> -> memref<64x512xf32, #tpu.memory_space<hbm>>
    %dma_wait3A_412 = arith.constant 0 : i32
    %dma_wait3A_413 = tpu.memref_slice %arg4[%select_n3A, %add3A_377, %dma_wait3A_412] : memref<4x8192x512xf32, #tpu.memory_space<hbm>> -> memref<1x64x512xf32, #tpu.memory_space<hbm>>
    %dma_wait3A_414 = tpu.memref_squeeze %dma_wait3A_413 : memref<1x64x512xf32, #tpu.memory_space<hbm>> -> memref<64x512xf32, #tpu.memory_space<hbm>>
    tpu.wait_dma2 semaphore(%arg14 : memref<!tpu.dma_semaphore, #tpu.memory_space<semaphore_mem>>) src(%arg8 : memref<64x512xf32, #tpu.memory_space<vmem>>) dst(%dma_wait3A_414 : memref<64x512xf32, #tpu.memory_space<hbm>>)
    return
  }
}

</mosaic_0001>

<sc_bundles>
// kernel: kernel.3.cloned.1.call-start
scs
__scs_entry_jumppad:
0x0: {  	(pc) =	sbr.rel $0x88, $3  }
0x1: {  	(tag) =	ssettag $0x0;
	lr =	simm.s32 $0x1  }
0x2: {  	[smem:$0x3F9F] =	sst lr;
	_ =	strace $0xD0000000  }
0x3: {  	_ = 	snop  }
0x4: {  	_ = 	snop  }
0x5: {  	_ = 	snop  }
0x6: {  	_ = 	snop  }
0x7: {  	_ = 	snop  }
__scs_overlays_trampoline_lowered:
0x8: {  	[smem:$0x3FAE] =	sst s0  }
0x9: {  	[smem:$0x3FAF] =	sst s1  }
0xa: {  	[smem:$0x3FB0] =	sst s2  }
0xb: {  	[smem:$0x3FB1] =	sst s3  }
0xc: {  	[smem:$0x3FB2] =	sst s4  }
0xd: {  	[smem:$0x3FB3] =	sst s5  }
0xe: {  	[smem:$0x3FB4] =	sst s6  }
0xf: {  	[smem:$0x3FB5] =	sst s7  }
0x10: {  	[smem:$0x3FB6] =	sst s8  }
0x11: {  	[smem:$0x3FB7] =	sst s9;
	s0 =	simm.s32 @!p0 $0x0  }
0x12: {  	s1 =	sld [smem:$0x3F9D];
	s0 =	simm.s32 @p0 $0x1  }
0x13: {  	[smem:$0x3FB8] =	sst s0;
	s0 =	simm.s32 @!p1 $0x0  }
0x14: {  	s2 =	sld [smem:$0x3F9C];
	s0 =	simm.s32 @p1 $0x1  }
0x15: {  	[smem:$0x3FB9] =	sst s0;
	s0 =	simm.s32 @!p2 $0x0  }
0x16: {  	s3 =	sld [smem:$0x3FDB];
	s0 =	simm.s32 @p2 $0x1  }
0x17: {  	s4 =	simm.s32 $0x1BF5;
	[smem:$0x3FBB] =	sst s0  }
0x18: {  	s0 =	sld [smem:$0x3F9E];
	_ =	swait.ge [sflag:s4], $0x0  }
0x19: {  	s7 =	sld [smem:$0x3F9F]  }
0x1a: {  	s8 =	sadd.s32 $0xFFFFE003, lr  }
0x1b: {  	s9 =	sadd.s32 $0xFFFFFEF7, lr;
	s5 =	simm.s32 $0xFFFFFFFF;
	p2 =	slt.u32 s8, $0xFFFFF086  }
0x1c: {  	p1 =	slt.u32 s9, $0xF7A;
	s5 =	simm.s32 @!p2 $0x0  }
0x1d: {  	s5 =	simm.s32 @p1 $0x1;
	p0 =	seq.s32 s7, s2  }
0x1e: {  	s7 =	smul.u32 @!p0 $0xF7A, s2;
	p2 =	seq.s32 @!p0 s5, $0x0  }
0x1f: {  	s9 =	smul.u32 $0xF7A, s1;
	s8 =	simm.s32 @!p0 $0x1BF5;
	p2 =	por !p2, p0  }
0x20: {  	[sflag:s8] =	ssyncset.s32 @!p0 $0xFFFFF086;
	s6 =	sadd.s32 @!p0 s3, s7;
	s7 =	simm.s32 @!p0 $0x108  }
0x21: {  	s3 =	sadd.s32 s3, s9;
	s6 =	sadd.s32 @!p0 $0x88, s6;
	s7 =	simm.s32 @p2 $0x1082  }
0x22: {  	[simem:s7], [sflag:s8] =	dma.local @!p0 [hbm:s6], $0xF7A  }
0x23: {  	s9 =	sor.u32 $0xD0000000, s2;
	s6 =	simm.s32 $0x108;
	_ =	swait.ge @!p0 [sflag:s8], $0x0  }
0x24: {  	s3 =	sadd.s32 $0x88, s3;
	s6 =	simm.s32 @!p1 $0x1082;
	[sflag:s4] =	ssyncset.s32 $0xFFFFF086  }
0x25: {  	[simem:s6], [sflag:s4] =	dma.local [hbm:s3], $0xF7A  }
0x26: {  	[smem:$0x3F9F] =	sst s1;
	(tag) =	ssettag s2;
	_ =	strace s9  }
0x27: {  	s1 =	sld [smem:$0x3FAF]  }
0x28: {  	s2 =	sld [smem:$0x3FB0]  }
0x29: {  	s4 =	sld [smem:$0x3FB2]  }
0x2a: {  	p0 =	seq.s32 s5, $0x0;
	s5 =	sld [smem:$0x3FB3]  }
0x2b: {  	s6 =	sld [smem:$0x3FB4]  }
0x2c: {  	s7 =	sld [smem:$0x3FB5]  }
0x2d: {  	s3 =	simm.s32 $0x108;
	s8 =	sld [smem:$0x3FB6]  }
0x2e: {  	s3 =	simm.s32 @!p0 $0x1082;
	s9 =	sld [smem:$0x3FB7]  }
0x2f: {  	lr =	sadd.s32 s0, s3;
	s0 =	sld [smem:$0x3FAE]  }
0x30: {  	s3 =	sld [smem:$0x3FB1]  }
0x31: {  	[smem:$0x3FBA] =	sst s10  }
0x32: {  	s10 =	sld [smem:$0x3FB8];
	_ =	sdelay $0x3  }
0x33: {  	p0 =	seq.s32 s10, $0x1;
	s10 =	sld [smem:$0x3FBA];
	_ =	sdelay $0x3  }
0x34: {  	[smem:$0x3FBA] =	sst s10  }
0x35: {  	s10 =	sld [smem:$0x3FB9];
	_ =	sdelay $0x3  }
0x36: {  	p1 =	seq.s32 s10, $0x1;
	s10 =	sld [smem:$0x3FBA];
	_ =	sdelay $0x3  }
0x37: {  	[smem:$0x3FBA] =	sst s10  }
0x38: {  	s10 =	sld [smem:$0x3FBB]  }
0x39: {  	_ = 	snop;
	(pc) =	sbr.ind lr, $3  }
0x3a: {  	_ = 	snop  }
0x3b: {  	_ = 	snop  }
0x3c: {  	p2 =	seq.s32 s10, $0x1;
	s10 =	sld [smem:$0x3FBA]  }
0x3d: {  	_ =	shalt  }
0x3e: {  	_ =	shalt  }
0x3f: {  	_ =	shalt  }
0x40: {  	_ =	shalt  }
0x41: {  	_ =	shalt  }
0x42: {  	_ =	shalt  }
0x43: {  	_ =	shalt  }
0x44: {  	_ =	shalt  }
0x45: {  	_ =	shalt  }
0x46: {  	_ =	shalt  }
0x47: {  	_ =	shalt  }
0x48: {  	_ =	shalt  }
0x49: {  	_ =	shalt  }
0x4a: {  	_ =	shalt  }
0x4b: {  	_ =	shalt  }
0x4c: {  	_ =	shalt  }
0x4d: {  	_ =	shalt  }
0x4e: {  	_ =	shalt  }
0x4f: {  	_ =	shalt  }
0x50: {  	_ =	shalt  }
0x51: {  	_ =	shalt  }
0x52: {  	_ =	shalt  }
0x53: {  	_ =	shalt  }
0x54: {  	_ =	shalt  }
0x55: {  	_ =	shalt  }
0x56: {  	_ =	shalt  }
0x57: {  	_ =	shalt  }
0x58: {  	_ =	shalt  }
0x59: {  	_ =	shalt  }
0x5a: {  	_ =	shalt  }
0x5b: {  	_ =	shalt  }
0x5c: {  	_ =	shalt  }
0x5d: {  	_ =	shalt  }
0x5e: {  	_ =	shalt  }
0x5f: {  	_ =	shalt  }
0x60: {  	_ =	shalt  }
0x61: {  	_ =	shalt  }
0x62: {  	_ =	shalt  }
0x63: {  	_ =	shalt  }
0x64: {  	_ =	shalt  }
0x65: {  	_ =	shalt  }
0x66: {  	_ =	shalt  }
0x67: {  	_ =	shalt  }
0x68: {  	_ =	shalt  }
0x69: {  	_ =	shalt  }
0x6a: {  	_ =	shalt  }
0x6b: {  	_ =	shalt  }
0x6c: {  	_ =	shalt  }
0x6d: {  	_ =	shalt  }
0x6e: {  	_ =	shalt  }
0x6f: {  	_ =	shalt  }
0x70: {  	_ =	shalt  }
0x71: {  	_ =	shalt  }
0x72: {  	_ =	shalt  }
0x73: {  	_ =	shalt  }
0x74: {  	_ =	shalt  }
0x75: {  	_ =	shalt  }
0x76: {  	_ =	shalt  }
0x77: {  	_ =	shalt  }
0x78: {  	_ =	shalt  }
0x79: {  	_ =	shalt  }
0x7a: {  	_ =	shalt  }
0x7b: {  	_ =	shalt  }
0x7c: {  	_ =	shalt  }
0x7d: {  	_ =	shalt  }
0x7e: {  	_ =	shalt  }
0x7f: {  	_ =	shalt  }
0x80: {  	_ =	shalt  }
0x81: {  	_ =	shalt  }
0x82: {  	_ =	shalt  }
0x83: {  	_ =	shalt  }
0x84: {  	_ =	shalt  }
0x85: {  	_ =	shalt  }
0x86: {  	_ =	shalt  }
0x87: {  	_ =	shalt  }
.Lfunc_end0:
.L_simem_size_0:
called_computation_lowered:
.L_overlay_start_0:
0x88: {  	s2 =	sld [smem:$0x3FD9]  }
0x89: {  	s3 =	sld [smem:$0x3FFE];
	_ =	sdelay $0x1  }
0x8a: {  	s1 =	srdreg.scid  }
0x8b: {  	s0 =	sand.u32 $0x1, s1  }
0x8c: {  	s18 =	sshll.u32 s0, $0xA;
	s2 =	sadd.s32 s3, s2  }
0x8d: {  	s2 =	sadd.s32 s2, s18  }
0x8e: {  	[smem:$0x3FC6] =	sst s2  }
0x8f: {  	_ = 	snop  }
0x90: {  	s2 =	sld [smem:$0x3FC9]  }
0x91: {  	s19 =	sld [smem:$0x3FC8]  }
0x92: {  	s4 =	sld [smem:$0x3FD0];
	(tm) =	ssettm $0x1  }
0x93: {  	s5 =	sld [smem:$0x3FFB];
	_ =	sdelay $0x3  }
0x94: {  	_ =	strace s5  }
0x95: {  	s5 =	sld [smem:$0x3FFC];
	_ =	sdelay $0x3  }
0x96: {  	_ =	strace s5  }
0x97: {  	s5 =	sld [smem:$0x3FFD];
	_ =	sdelay $0x3  }
0x98: {  	_ =	strace s5  }
0x99: {  	_ =	strace $0x8FFFFFFF  }
0x9a: {  	s20 =	sld [smem:$0x3FDB];
	_ =	sdelay $0x1  }
0x9b: {  	s6 =	simm.s32 $_scs_section_size  }
0x9c: {  	s7 =	simm.s32 $_size__tile_overlayer_lowered;
	s8 =	simm.s32 $_tile_overlayer_lowered  }
0x9d: {  	s23 =	simm.s32 $0x1BFF;
	s22 =	sshll.u32 s8, $0x1;
	s5 =	sadd.s32 s6, s20  }
0x9e: {  	s9 =	simm.s32 $0x0;
	s21 =	sshll.u32 s7, $0x1;
	s7 =	sadd.s32 s22, s5  }
0x9f: {  	[timem:s9], [sflag:s23] =	dma.local [hbm:s7], s21  }
0xa0: {  	_ =	swait.ge [sflag:s23], s21  }
0xa1: {  	s6 =	ssub.s32 $0x0, s21;
	[sflag:s23] =	ssyncset.done $0x0  }
0xa2: {  	[sflag:s23] =	ssyncadd.s32 s6;
	_ =	sdelay $0x1  }
0xa3: {  	s24 =	simm.s32 $0x1B8B  }
0xa4: {  	_ =	swait.ge [sflag:s24], $0x1  }
0xa5: {  	[sflag:s24] =	ssyncset.done $0x0  }
0xa6: {  	s25 =	simm.s32 $0x1B8E;
	[sflag:s24] =	ssyncadd.s32 $0xFFFFFFFF  }
0xa7: {  	s26 =	simm.s32 $execute0_lowered;
	[smem:$0x3FD2] =	sst s25  }
0xa8: {  	s6 =	sshll.u32 s26, $0x1;
	_ =	strace $0x80000046;
	[dreg:$0x1] =	wrdreg $0xFFFFFFFF  }
0xa9: {  	s28 =	simm.s32 $_size_execute0_lowered;
	s5 =	sadd.s32 s5, s6;
	[dreg:$0x0] =	wrdreg $0x0  }
0xaa: {  	s6 =	sshll.u32 s28, $0x1;
	[dreg:$0x2] =	wrdreg s5  }
0xab: {  	[dreg:$0x3] =	wrdreg s6  }
0xac: {  	[dreg:$0x4] =	wrdreg $0xC0  }
0xad: {  	_ =	task [dreg:s9], $0x5FFFF  }
0xae: {  	[dreg:$0x1] =	wrdreg $0xFFFFFFFF  }
0xaf: {  	[dreg:$0x0] =	wrdreg $0x60  }
0xb0: {  	[dreg:$0x2] =	wrdreg s2  }
0xb1: {  	[dreg:$0x3] =	wrdreg s19  }
0xb2: {  	[dreg:$0x4] =	wrdreg s4  }
0xb3: {  	[dreg:$0x5] =	wrdreg $0x9  }
0xb4: {  	_ =	task.clear_ibuf [dreg:s9], $0x6FFFF;
	_ =	strace $0x90000046  }
0xb5: {  	s29 =	simm.s32 $0x9;
	_ =	strace $0x80000048  }
0xb6: {  	_ =	swait.ge [sflag:s29], $0x1  }
0xb7: {  	[sflag:s29] =	ssyncadd.s32 $0xFFFFFFFF  }
0xb8: {  	_ =	strace $0x90000048  }
0xb9: {  	_ =	sfence  }
0xba: {  	s30 =	sld [smem:$0x0];
	_ =	sdelay $0x2  }
0xbb: {  	s31 =	sshll.u32 s1, $0xD;
	s1 =	sshrl.u32 s1, $0x2  }
0xbc: {  	s3 =	sand.u32 $0x4000, s31;
	s1 =	sadd.s32 s1, s30  }
0xbd: {  	s0 =	sor.u32 s3, s0;
	s1 =	sshll.u32 s1, $0x11  }
0xbe: {  	s0 =	sor.u32 s1, s0  }
0xbf: {  	s0 =	sadd.s32 $0x8F2B, s0  }
0xc0: {  	[sflag:s0] =	ssyncadd.remote.s32 $0x1  }
0xc1: {  	_ =	sfence.sel $0xFFFF  }
0xc2: {  	[dreg:$0x0] =	wrdreg $0xFFFFFFFF;
	(pc) =	sbr.abs _section_cstart, $3  }
0xc3: {  	[dreg:$0x1] =	wrdreg $0xFFFFFFFF  }
0xc4: {  	_ =	task.clear_ibuf [dreg:s9], $0x2FFFF;
	_ =	strace $0x9FFFFFFF  }
0xc5: {  	(tm) =	ssettm $0x7FFFFFFF  }
tec
execute0_lowered:
.L_overlay_start_1:
0x0: {  	(tag) =	ssettag $0x1  }
0x1: {  	s0 =	rddreg [dreg:$0x0]  }
0x2: {  	s2 =	rddreg [dreg:$0x1]  }
0x3: {  	s1 =	rddreg [dreg:$0x2]  }
0x4: {  	s6 =	stileid.u32;
	s4 =	srdreg.scid;
	s3 =	simm.s32 $0x0  }
0x5: {  	s25 =	simm.s32 $0x80;
	s26 =	simm.s32 $0x200;
	s5 =	sshll.u32 s6, $0x1  }
0x6: {  	s4 =	sand.u32 $0x1, s4;
	[smem:$0x7FF] =	sst s3;
	s6 =	sshrl.u32 s6, $0x2  }
0x7: {  	s5 =	sand.u32 $0x6, s5;
	s8 =	sshll.u32 s6, $0x4;
	s6 =	sshll.u32 s6, $0x13  }
0x8: {  	_ =	strace $0x80000047;
	[dreg:$0x14] =	wrdreg s25;
	s5 =	sor.u32 s4, s5  }
0x9: {  	s0 =	sadd.s32 s0, s8;
	s7 =	sshll.u32 s5, $0x10;
	s5 =	sshll.u32 s5, $0x9  }
0xa: {  	[dreg:$0x15] =	wrdreg s26;
	s6 =	sor.u32 s6, s7;
	s0 =	sadd.s32 s5, s0  }
0xb: {  	s8 =	sadd.s32 s1, s6;
	[dreg:$0x4] =	wrdreg s0  }
0xc: {  	s9 =	sadd.s32 $0x1000, s8;
	[dreg:$0x16] =	wrdreg s8  }
0xd: {  	s10 =	sadd.s32 $0x2000, s8;
	[dreg:$0x5] =	wrdreg s9  }
0xe: {  	s11 =	sadd.s32 $0x3000, s8;
	[dreg:$0x6] =	wrdreg s10  }
0xf: {  	s28 =	simm.s32 $0x1;
	s12 =	sadd.s32 $0x4000, s8;
	[dreg:$0x7] =	wrdreg s11  }
0x10: {  	s29 =	simm.s32 $0x4;
	s13 =	sadd.s32 $0x5000, s8;
	[dreg:$0x8] =	wrdreg s12  }
0x11: {  	s30 =	simm.s32 $0x2;
	s14 =	sadd.s32 $0x6000, s8;
	[dreg:$0x9] =	wrdreg s13  }
0x12: {  	s31 =	simm.s32 $0x8400;
	s15 =	sadd.s32 $0x7000, s8;
	[dreg:$0xa] =	wrdreg s14  }
0x13: {  	s22 =	ssub.s32 $0x2, s4;
	s16 =	sadd.s32 $0x8000, s8;
	[dreg:$0xb] =	wrdreg s15  }
0x14: {  	s4 =	sshrl.u32 s22, $0x1;
	s17 =	sadd.s32 $0x9000, s8;
	[dreg:$0xc] =	wrdreg s16  }
0x15: {  	s5 =	sadd.s32 $0x100, s2;
	s18 =	sadd.s32 $0xA000, s8;
	[dreg:$0xd] =	wrdreg s17  }
0x16: {  	s1 =	ssub.s32 s22, s4;
	s19 =	sadd.s32 $0xB000, s8;
	[dreg:$0xe] =	wrdreg s18  }
0x17: {  	s0 =	simm.s32 $0x5;
	s20 =	sadd.s32 $0xC000, s8;
	[dreg:$0xf] =	wrdreg s19  }
0x18: {  	s4 =	simm.s32 $0x6;
	s21 =	sadd.s32 $0xD000, s8;
	[dreg:$0x10] =	wrdreg s20  }
0x19: {  	v2 =	vlaneseq.u32;
	s23 =	sadd.s32 $0xE000, s8;
	s24 =	sadd.s32 $0xF000, s8;
	[dreg:$0x11] =	wrdreg s21  }
0x1a: {  	vm0 =	vmmov $0xffff;
	v1 =	vshrl.u32 v2, $0x3;
	s6 =	smax.u32 s1, $0x1;
	s1 =	simm.s32 $0x3;
	[dreg:$0x12] =	wrdreg s23  }
0x1b: {  	v0 =	vand.u32 $0x7, v2;
	v2 =	vor.u32 $0x8, v2;
	v1 =	vmul.u32 $0x8, v1;
	s8 =	simm.s32 $0x10400;
	[dreg:$0x13] =	wrdreg s24;
	s23 =	simm.s32 $0x400  }
.LBB2_1:
0x1c: {  	s7 =	rddreg [dreg:$0x4]  }
0x1d: {  	s25 =	rddreg [dreg:$0x14]  }
0x1e: {  	s26 =	rddreg [dreg:$0x15];
	s13 =	simm.s32 $0x7  }
0x1f: {  	[tilespmem:s3], [sflag:$0x7] =	stream.strided.gather [hbm4b:s7+s25], $0x400, s26, s25, $0x38;
	[tilespmem:$0x18400] =	vst v63  }
0x20: {  	_ =	swait.ge [sflag:s13], $0x400  }
0x21: {  	[sflag:s13] =	ssyncset.done $0x0  }
0x22: {  	[sflag:s13] =	ssyncadd.s32 $0xFFFFFC00  }
0x23: {  	v3 =	vld [tilespmem:$0x0];
	_ =	sdelay $0x4  }
0x24: {  	v4 =	vshll.u32 v3, $0x2  }
0x25: {  	v3 =	vand.u32 $0x7, v3;
	v4 =	vand.u32 $0xFFFFFFE0, v4  }
0x26: {  	v3 =	vor.u32 v3, v4  }
0x27: {  	v4 =	vperm.xlane v3, v0;
	_ =	sdelay $0x1  }
0x28: {  	v4 =	vadd.s32 v1, v4;
	_ =	sdelay $0x1  }
0x29: {  	v3 =	vperm.xlane v3, v2;
	_ =	sdelay $0x1  }
0x2a: {  	v3 =	vadd.s32 v1, v3  }
0x2b: {  	[tilespmem:s23], [sflag:$0x1] =	stream.indirect_vreg.gather [hbm4b:s2+s3], $0x80, v4, vm0, $0xb8;
	[tilespmem:$0x18400] =	vst v63  }
0x2c: {  	s14 =	simm.s32 $0xC00  }
0x2d: {  	[tilespmem:s14], [sflag:$0x1] =	stream.indirect_vreg.gather [hbm4b:s5+s3], $0x80, v4, vm0, $0xb8;
	[tilespmem:$0x18400] =	vst v63  }
0x2e: {  	s15 =	simm.s32 $0x1400  }
0x2f: {  	[tilespmem:s15], [sflag:$0x1] =	stream.indirect_vreg.gather [hbm4b:s2+s3], $0x80, v3, vm0, $0xb8;
	[tilespmem:$0x18400] =	vst v63  }
0x30: {  	s16 =	simm.s32 $0x1C00  }
0x31: {  	[tilespmem:s16], [sflag:$0x1] =	stream.indirect_vreg.gather [hbm4b:s5+s3], $0x80, v3, vm0, $0xb8;
	[tilespmem:$0x18400] =	vst v63  }
0x32: {  	v3 =	vld [tilespmem:$0x10];
	_ =	sdelay $0x4  }
0x33: {  	v57 =	vshll.u32 v3, $0x2  }
0x34: {  	v3 =	vand.u32 $0x7, v3;
	v4 =	vand.u32 $0xFFFFFFE0, v57  }
0x35: {  	v3 =	vor.u32 v3, v4  }
0x36: {  	v4 =	vperm.xlane v3, v0;
	_ =	sdelay $0x1  }
0x37: {  	v4 =	vadd.s32 v1, v4;
	_ =	sdelay $0x1  }
0x38: {  	v3 =	vperm.xlane v3, v2;
	_ =	sdelay $0x1  }
0x39: {  	s17 =	simm.s32 $0x2400;
	v3 =	vadd.s32 v1, v3  }
0x3a: {  	[tilespmem:s17], [sflag:$0x1] =	stream.indirect_vreg.gather [hbm4b:s2+s3], $0x80, v4, vm0, $0xb8;
	[tilespmem:$0x18400] =	vst v63  }
0x3b: {  	s18 =	simm.s32 $0x2C00  }
0x3c: {  	[tilespmem:s18], [sflag:$0x1] =	stream.indirect_vreg.gather [hbm4b:s5+s3], $0x80, v4, vm0, $0xb8;
	[tilespmem:$0x18400] =	vst v63  }
0x3d: {  	s19 =	simm.s32 $0x3400  }
0x3e: {  	[tilespmem:s19], [sflag:$0x1] =	stream.indirect_vreg.gather [hbm4b:s2+s3], $0x80, v3, vm0, $0xb8;
	[tilespmem:$0x18400] =	vst v63  }
0x3f: {  	s20 =	simm.s32 $0x3C00  }
0x40: {  	[tilespmem:s20], [sflag:$0x1] =	stream.indirect_vreg.gather [hbm4b:s5+s3], $0x80, v3, vm0, $0xb8;
	[tilespmem:$0x18400] =	vst v63  }
0x41: {  	v3 =	vld [tilespmem:$0x20];
	_ =	sdelay $0x4  }
0x42: {  	v58 =	vshll.u32 v3, $0x2  }
0x43: {  	v3 =	vand.u32 $0x7, v3;
	v4 =	vand.u32 $0xFFFFFFE0, v58  }
0x44: {  	v3 =	vor.u32 v3, v4  }
0x45: {  	v4 =	vperm.xlane v3, v0;
	_ =	sdelay $0x1  }
0x46: {  	v4 =	vadd.s32 v1, v4;
	_ =	sdelay $0x1  }
0x47: {  	v3 =	vperm.xlane v3, v2;
	_ =	sdelay $0x1  }
0x48: {  	s21 =	simm.s32 $0x4400;
	v3 =	vadd.s32 v1, v3  }
0x49: {  	[tilespmem:s21], [sflag:$0x1] =	stream.indirect_vreg.gather [hbm4b:s2+s3], $0x80, v4, vm0, $0xb8;
	[tilespmem:$0x18400] =	vst v63  }
0x4a: {  	s22 =	simm.s32 $0x4C00  }
0x4b: {  	[tilespmem:s22], [sflag:$0x1] =	stream.indirect_vreg.gather [hbm4b:s5+s3], $0x80, v4, vm0, $0xb8;
	[tilespmem:$0x18400] =	vst v63  }
0x4c: {  	s25 =	simm.s32 $0x5400  }
0x4d: {  	[tilespmem:s25], [sflag:$0x1] =	stream.indirect_vreg.gather [hbm4b:s2+s3], $0x80, v3, vm0, $0xb8;
	[tilespmem:$0x18400] =	vst v63  }
0x4e: {  	s26 =	simm.s32 $0x5C00  }
0x4f: {  	[tilespmem:s26], [sflag:$0x1] =	stream.indirect_vreg.gather [hbm4b:s5+s3], $0x80, v3, vm0, $0xb8;
	[tilespmem:$0x18400] =	vst v63  }
0x50: {  	v3 =	vld [tilespmem:$0x30];
	_ =	sdelay $0x4  }
0x51: {  	v59 =	vshll.u32 v3, $0x2  }
0x52: {  	v3 =	vand.u32 $0x7, v3;
	v4 =	vand.u32 $0xFFFFFFE0, v59  }
0x53: {  	v3 =	vor.u32 v3, v4  }
0x54: {  	v4 =	vperm.xlane v3, v0;
	_ =	sdelay $0x1  }
0x55: {  	v4 =	vadd.s32 v1, v4;
	_ =	sdelay $0x1  }
0x56: {  	v3 =	vperm.xlane v3, v2;
	_ =	sdelay $0x1  }
0x57: {  	s17 =	simm.s32 $0x6400;
	v3 =	vadd.s32 v1, v3  }
0x58: {  	[tilespmem:s17], [sflag:$0x1] =	stream.indirect_vreg.gather [hbm4b:s2+s3], $0x80, v4, vm0, $0xb8;
	[tilespmem:$0x18400] =	vst v63  }
0x59: {  	s18 =	simm.s32 $0x6C00  }
0x5a: {  	[tilespmem:s18], [sflag:$0x1] =	stream.indirect_vreg.gather [hbm4b:s5+s3], $0x80, v4, vm0, $0xb8;
	[tilespmem:$0x18400] =	vst v63  }
0x5b: {  	s19 =	simm.s32 $0x7400  }
0x5c: {  	[tilespmem:s19], [sflag:$0x1] =	stream.indirect_vreg.gather [hbm4b:s2+s3], $0x80, v3, vm0, $0xb8;
	[tilespmem:$0x18400] =	vst v63  }
0x5d: {  	s22 =	simm.s32 $0x7C00  }
0x5e: {  	[tilespmem:s22], [sflag:$0x1] =	stream.indirect_vreg.gather [hbm4b:s5+s3], $0x80, v3, vm0, $0xb8;
	[tilespmem:$0x18400] =	vst v63  }
0x5f: {  	v3 =	vld [tilespmem:$0x40];
	_ =	sdelay $0x4  }
0x60: {  	v60 =	vshll.u32 v3, $0x2  }
0x61: {  	v3 =	vand.u32 $0x7, v3;
	v4 =	vand.u32 $0xFFFFFFE0, v60  }
0x62: {  	v3 =	vor.u32 v3, v4  }
0x63: {  	v4 =	vperm.xlane v3, v0;
	_ =	sdelay $0x1  }
0x64: {  	v4 =	vadd.s32 v1, v4;
	_ =	sdelay $0x1  }
0x65: {  	v3 =	vperm.xlane v3, v2;
	_ =	sdelay $0x1  }
0x66: {  	v3 =	vadd.s32 v1, v3  }
0x67: {  	[tilespmem:s31], [sflag:$0x2] =	stream.indirect_vreg.gather [hbm4b:s2+s3], $0x80, v4, vm0, $0xb8;
	[tilespmem:$0x18400] =	vst v63  }
0x68: {  	s25 =	simm.s32 $0x8C00  }
0x69: {  	[tilespmem:s25], [sflag:$0x2] =	stream.indirect_vreg.gather [hbm4b:s5+s3], $0x80, v4, vm0, $0xb8;
	[tilespmem:$0x18400] =	vst v63  }
0x6a: {  	s26 =	simm.s32 $0x9400  }
0x6b: {  	[tilespmem:s26], [sflag:$0x2] =	stream.indirect_vreg.gather [hbm4b:s2+s3], $0x80, v3, vm0, $0xb8;
	[tilespmem:$0x18400] =	vst v63  }
0x6c: {  	s25 =	simm.s32 $0x9C00  }
0x6d: {  	[tilespmem:s25], [sflag:$0x2] =	stream.indirect_vreg.gather [hbm4b:s5+s3], $0x80, v3, vm0, $0xb8;
	[tilespmem:$0x18400] =	vst v63  }
0x6e: {  	v3 =	vld [tilespmem:$0x50];
	_ =	sdelay $0x4  }
0x6f: {  	v61 =	vshll.u32 v3, $0x2  }
0x70: {  	v3 =	vand.u32 $0x7, v3;
	v4 =	vand.u32 $0xFFFFFFE0, v61  }
0x71: {  	v3 =	vor.u32 v3, v4  }
0x72: {  	v4 =	vperm.xlane v3, v0;
	_ =	sdelay $0x1  }
0x73: {  	v4 =	vadd.s32 v1, v4;
	_ =	sdelay $0x1  }
0x74: {  	v3 =	vperm.xlane v3, v2;
	_ =	sdelay $0x1  }
0x75: {  	s26 =	simm.s32 $0xA400;
	v3 =	vadd.s32 v1, v3  }
0x76: {  	[tilespmem:s26], [sflag:$0x2] =	stream.indirect_vreg.gather [hbm4b:s2+s3], $0x80, v4, vm0, $0xb8;
	[tilespmem:$0x18400] =	vst v63  }
0x77: {  	s26 =	simm.s32 $0xAC00  }
0x78: {  	[tilespmem:s26], [sflag:$0x2] =	stream.indirect_vreg.gather [hbm4b:s5+s3], $0x80, v4, vm0, $0xb8;
	[tilespmem:$0x18400] =	vst v63  }
0x79: {  	s26 =	simm.s32 $0xB400  }
0x7a: {  	[tilespmem:s26], [sflag:$0x2] =	stream.indirect_vreg.gather [hbm4b:s2+s3], $0x80, v3, vm0, $0xb8;
	[tilespmem:$0x18400] =	vst v63  }
0x7b: {  	s26 =	simm.s32 $0xBC00  }
0x7c: {  	[tilespmem:s26], [sflag:$0x2] =	stream.indirect_vreg.gather [hbm4b:s5+s3], $0x80, v3, vm0, $0xb8;
	[tilespmem:$0x18400] =	vst v63  }
0x7d: {  	v3 =	vld [tilespmem:$0x60];
	_ =	sdelay $0x4  }
0x7e: {  	v62 =	vshll.u32 v3, $0x2  }
0x7f: {  	v3 =	vand.u32 $0x7, v3;
	v4 =	vand.u32 $0xFFFFFFE0, v62  }
0x80: {  	v3 =	vor.u32 v3, v4  }
0x81: {  	v4 =	vperm.xlane v3, v0;
	_ =	sdelay $0x1  }
0x82: {  	v4 =	vadd.s32 v1, v4;
	_ =	sdelay $0x1  }
0x83: {  	v3 =	vperm.xlane v3, v2;
	_ =	sdelay $0x1  }
0x84: {  	s7 =	simm.s32 $0xC400;
	v3 =	vadd.s32 v1, v3  }
0x85: {  	[tilespmem:s7], [sflag:$0x2] =	stream.indirect_vreg.gather [hbm4b:s2+s3], $0x80, v4, vm0, $0xb8;
	[tilespmem:$0x18400] =	vst v63  }
0x86: {  	s7 =	simm.s32 $0xCC00  }
0x87: {  	[tilespmem:s7], [sflag:$0x2] =	stream.indirect_vreg.gather [hbm4b:s5+s3], $0x80, v4, vm0, $0xb8;
	[tilespmem:$0x18400] =	vst v63  }
0x88: {  	s7 =	simm.s32 $0xD400  }
0x89: {  	[tilespmem:s7], [sflag:$0x2] =	stream.indirect_vreg.gather [hbm4b:s2+s3], $0x80, v3, vm0, $0xb8;
	[tilespmem:$0x18400] =	vst v63  }
0x8a: {  	s7 =	simm.s32 $0xDC00  }
0x8b: {  	[tilespmem:s7], [sflag:$0x2] =	stream.indirect_vreg.gather [hbm4b:s5+s3], $0x80, v3, vm0, $0xb8;
	[tilespmem:$0x18400] =	vst v63  }
0x8c: {  	v3 =	vld [tilespmem:$0x70];
	_ =	sdelay $0x4  }
0x8d: {  	v63 =	vshll.u32 v3, $0x2  }
0x8e: {  	v3 =	vand.u32 $0x7, v3;
	v4 =	vand.u32 $0xFFFFFFE0, v63  }
0x8f: {  	v3 =	vor.u32 v3, v4  }
0x90: {  	v4 =	vperm.xlane v3, v0;
	_ =	sdelay $0x1  }
0x91: {  	v4 =	vadd.s32 v1, v4;
	_ =	sdelay $0x1  }
0x92: {  	v3 =	vperm.xlane v3, v2;
	_ =	sdelay $0x1  }
0x93: {  	s7 =	simm.s32 $0xE400;
	v3 =	vadd.s32 v1, v3  }
0x94: {  	[tilespmem:s7], [sflag:$0x2] =	stream.indirect_vreg.gather [hbm4b:s2+s3], $0x80, v4, vm0, $0xb8;
	[tilespmem:$0x18400] =	vst v63  }
0x95: {  	s7 =	simm.s32 $0xEC00  }
0x96: {  	[tilespmem:s7], [sflag:$0x2] =	stream.indirect_vreg.gather [hbm4b:s5+s3], $0x80, v4, vm0, $0xb8;
	[tilespmem:$0x18400] =	vst v63  }
0x97: {  	s7 =	simm.s32 $0xF400  }
0x98: {  	[tilespmem:s7], [sflag:$0x2] =	stream.indirect_vreg.gather [hbm4b:s2+s3], $0x80, v3, vm0, $0xb8;
	[tilespmem:$0x18400] =	vst v63  }
0x99: {  	s7 =	simm.s32 $0xFC00  }
0x9a: {  	[tilespmem:s7], [sflag:$0x2] =	stream.indirect_vreg.gather [hbm4b:s5+s3], $0x80, v3, vm0, $0xb8;
	[tilespmem:$0x18400] =	vst v63  }
0x9b: {  	v3 =	vld [tilespmem:$0x80];
	_ =	sdelay $0x4  }
0x9c: {  	v8 =	vshll.u32 v3, $0x2  }
0x9d: {  	v3 =	vand.u32 $0x7, v3;
	v4 =	vand.u32 $0xFFFFFFE0, v8  }
0x9e: {  	v3 =	vor.u32 v3, v4  }
0x9f: {  	v4 =	vperm.xlane v3, v0;
	_ =	sdelay $0x1  }
0xa0: {  	v4 =	vadd.s32 v1, v4;
	_ =	sdelay $0x1  }
0xa1: {  	v3 =	vperm.xlane v3, v2;
	_ =	sdelay $0x1  }
0xa2: {  	v3 =	vadd.s32 v1, v3  }
0xa3: {  	[tilespmem:s8], [sflag:$0x3] =	stream.indirect_vreg.gather [hbm4b:s2+s3], $0x80, v4, vm0, $0xb8;
	[tilespmem:$0x18400] =	vst v63  }
0xa4: {  	s7 =	simm.s32 $0x10C00  }
0xa5: {  	[tilespmem:s7], [sflag:$0x3] =	stream.indirect_vreg.gather [hbm4b:s5+s3], $0x80, v4, vm0, $0xb8;
	[tilespmem:$0x18400] =	vst v63  }
0xa6: {  	s7 =	simm.s32 $0x11400  }
0xa7: {  	[tilespmem:s7], [sflag:$0x3] =	stream.indirect_vreg.gather [hbm4b:s2+s3], $0x80, v3, vm0, $0xb8;
	[tilespmem:$0x18400] =	vst v63  }
0xa8: {  	s7 =	simm.s32 $0x11C00  }
0xa9: {  	[tilespmem:s7], [sflag:$0x3] =	stream.indirect_vreg.gather [hbm4b:s5+s3], $0x80, v3, vm0, $0xb8;
	[tilespmem:$0x18400] =	vst v63  }
0xaa: {  	v3 =	vld [tilespmem:$0x90];
	_ =	sdelay $0x4  }
0xab: {  	v9 =	vshll.u32 v3, $0x2  }
0xac: {  	v3 =	vand.u32 $0x7, v3;
	v4 =	vand.u32 $0xFFFFFFE0, v9  }
0xad: {  	v3 =	vor.u32 v3, v4  }
0xae: {  	v4 =	vperm.xlane v3, v0;
	_ =	sdelay $0x1  }
0xaf: {  	v4 =	vadd.s32 v1, v4;
	_ =	sdelay $0x1  }
0xb0: {  	v3 =	vperm.xlane v3, v2;
	_ =	sdelay $0x1  }
0xb1: {  	s7 =	simm.s32 $0x12400;
	v3 =	vadd.s32 v1, v3  }
0xb2: {  	[tilespmem:s7], [sflag:$0x3] =	stream.indirect_vreg.gather [hbm4b:s2+s3], $0x80, v4, vm0, $0xb8;
	[tilespmem:$0x18400] =	vst v63  }
0xb3: {  	s7 =	simm.s32 $0x12C00  }
0xb4: {  	[tilespmem:s7], [sflag:$0x3] =	stream.indirect_vreg.gather [hbm4b:s5+s3], $0x80, v4, vm0, $0xb8;
	[tilespmem:$0x18400] =	vst v63  }
0xb5: {  	s7 =	simm.s32 $0x13400  }
0xb6: {  	[tilespmem:s7], [sflag:$0x3] =	stream.indirect_vreg.gather [hbm4b:s2+s3], $0x80, v3, vm0, $0xb8;
	[tilespmem:$0x18400] =	vst v63  }
0xb7: {  	s7 =	simm.s32 $0x13C00  }
0xb8: {  	[tilespmem:s7], [sflag:$0x3] =	stream.indirect_vreg.gather [hbm4b:s5+s3], $0x80, v3, vm0, $0xb8;
	[tilespmem:$0x18400] =	vst v63  }
0xb9: {  	v3 =	vld [tilespmem:$0xA0];
	_ =	sdelay $0x4  }
0xba: {  	v10 =	vshll.u32 v3, $0x2  }
0xbb: {  	v3 =	vand.u32 $0x7, v3;
	v4 =	vand.u32 $0xFFFFFFE0, v10  }
0xbc: {  	v3 =	vor.u32 v3, v4  }
0xbd: {  	v4 =	vperm.xlane v3, v0;
	_ =	sdelay $0x1  }
0xbe: {  	v4 =	vadd.s32 v1, v4;
	_ =	sdelay $0x1  }
0xbf: {  	v3 =	vperm.xlane v3, v2;
	_ =	sdelay $0x1  }
0xc0: {  	s7 =	simm.s32 $0x14400;
	v3 =	vadd.s32 v1, v3  }
0xc1: {  	[tilespmem:s7], [sflag:$0x3] =	stream.indirect_vreg.gather [hbm4b:s2+s3], $0x80, v4, vm0, $0xb8;
	[tilespmem:$0x18400] =	vst v63  }
0xc2: {  	s7 =	simm.s32 $0x14C00  }
0xc3: {  	[tilespmem:s7], [sflag:$0x3] =	stream.indirect_vreg.gather [hbm4b:s5+s3], $0x80, v4, vm0, $0xb8;
	[tilespmem:$0x18400] =	vst v63  }
0xc4: {  	s7 =	simm.s32 $0x15400  }
0xc5: {  	[tilespmem:s7], [sflag:$0x3] =	stream.indirect_vreg.gather [hbm4b:s2+s3], $0x80, v3, vm0, $0xb8;
	[tilespmem:$0x18400] =	vst v63  }
0xc6: {  	s7 =	simm.s32 $0x15C00  }
0xc7: {  	[tilespmem:s7], [sflag:$0x3] =	stream.indirect_vreg.gather [hbm4b:s5+s3], $0x80, v3, vm0, $0xb8;
	[tilespmem:$0x18400] =	vst v63  }
0xc8: {  	v3 =	vld [tilespmem:$0xB0];
	_ =	sdelay $0x4  }
0xc9: {  	v11 =	vshll.u32 v3, $0x2  }
0xca: {  	v3 =	vand.u32 $0x7, v3;
	v4 =	vand.u32 $0xFFFFFFE0, v11  }
0xcb: {  	v3 =	vor.u32 v3, v4  }
0xcc: {  	v4 =	vperm.xlane v3, v0;
	_ =	sdelay $0x1  }
0xcd: {  	v4 =	vadd.s32 v1, v4;
	_ =	sdelay $0x1  }
0xce: {  	v3 =	vperm.xlane v3, v2;
	_ =	sdelay $0x1  }
0xcf: {  	s7 =	simm.s32 $0x16400;
	v3 =	vadd.s32 v1, v3  }
0xd0: {  	[tilespmem:s7], [sflag:$0x3] =	stream.indirect_vreg.gather [hbm4b:s2+s3], $0x80, v4, vm0, $0xb8;
	[tilespmem:$0x18400] =	vst v63  }
0xd1: {  	s7 =	simm.s32 $0x16C00  }
0xd2: {  	[tilespmem:s7], [sflag:$0x3] =	stream.indirect_vreg.gather [hbm4b:s5+s3], $0x80, v4, vm0, $0xb8;
	[tilespmem:$0x18400] =	vst v63  }
0xd3: {  	s7 =	simm.s32 $0x17400  }
0xd4: {  	[tilespmem:s7], [sflag:$0x3] =	stream.indirect_vreg.gather [hbm4b:s2+s3], $0x80, v3, vm0, $0xb8;
	[tilespmem:$0x18400] =	vst v63  }
0xd5: {  	s7 =	simm.s32 $0x17C00  }
0xd6: {  	[tilespmem:s7], [sflag:$0x3] =	stream.indirect_vreg.gather [hbm4b:s5+s3], $0x80, v3, vm0, $0xb8;
	[tilespmem:$0x18400] =	vst v63  }
0xd7: {  	_ =	swait.ge [sflag:s28], $0x8000  }
0xd8: {  	[sflag:s28] =	ssyncset.done $0x0  }
0xd9: {  	s7 =	rddreg [dreg:$0x16];
	[sflag:s28] =	ssyncadd.s32 $0xFFFF8000  }
0xda: {  	[hbm4b:s7+s3] =	stream.linear.scatter [tilespmem:s23], [sflag:$0x4], $0x8000, $0x38;
	[tilespmem:$0x18400] =	vst v63  }
0xdb: {  	_ =	swait.ge [sflag:s29], $0x8000  }
0xdc: {  	[sflag:s29] =	ssyncset.done $0x0  }
0xdd: {  	[sflag:s29] =	ssyncadd.s32 $0xFFFF8000  }
0xde: {  	v3 =	vld [tilespmem:$0xC0];
	_ =	sdelay $0x4  }
0xdf: {  	v12 =	vshll.u32 v3, $0x2  }
0xe0: {  	v3 =	vand.u32 $0x7, v3;
	v4 =	vand.u32 $0xFFFFFFE0, v12  }
0xe1: {  	v3 =	vor.u32 v3, v4  }
0xe2: {  	v4 =	vperm.xlane v3, v0;
	_ =	sdelay $0x1  }
0xe3: {  	v4 =	vadd.s32 v1, v4;
	_ =	sdelay $0x1  }
0xe4: {  	v3 =	vperm.xlane v3, v2;
	_ =	sdelay $0x1  }
0xe5: {  	v3 =	vadd.s32 v1, v3  }
0xe6: {  	[tilespmem:s23], [sflag:$0x1] =	stream.indirect_vreg.gather [hbm4b:s2+s3], $0x80, v4, vm0, $0xb8;
	[tilespmem:$0x18400] =	vst v63  }
0xe7: {  	s9 =	simm.s32 $0xC00  }
0xe8: {  	[tilespmem:s9], [sflag:$0x1] =	stream.indirect_vreg.gather [hbm4b:s5+s3], $0x80, v4, vm0, $0xb8;
	[tilespmem:$0x18400] =	vst v63  }
0xe9: {  	s10 =	simm.s32 $0x1400  }
0xea: {  	[tilespmem:s10], [sflag:$0x1] =	stream.indirect_vreg.gather [hbm4b:s2+s3], $0x80, v3, vm0, $0xb8;
	[tilespmem:$0x18400] =	vst v63  }
0xeb: {  	s24 =	simm.s32 $0x1C00  }
0xec: {  	[tilespmem:s24], [sflag:$0x1] =	stream.indirect_vreg.gather [hbm4b:s5+s3], $0x80, v3, vm0, $0xb8;
	[tilespmem:$0x18400] =	vst v63  }
0xed: {  	v3 =	vld [tilespmem:$0xD0];
	_ =	sdelay $0x4  }
0xee: {  	v13 =	vshll.u32 v3, $0x2  }
0xef: {  	v3 =	vand.u32 $0x7, v3;
	v4 =	vand.u32 $0xFFFFFFE0, v13  }
0xf0: {  	v3 =	vor.u32 v3, v4  }
0xf1: {  	v4 =	vperm.xlane v3, v0;
	_ =	sdelay $0x1  }
0xf2: {  	v4 =	vadd.s32 v1, v4;
	_ =	sdelay $0x1  }
0xf3: {  	v3 =	vperm.xlane v3, v2;
	_ =	sdelay $0x1  }
0xf4: {  	s11 =	simm.s32 $0x2400;
	v3 =	vadd.s32 v1, v3  }
0xf5: {  	[tilespmem:s11], [sflag:$0x1] =	stream.indirect_vreg.gather [hbm4b:s2+s3], $0x80, v4, vm0, $0xb8;
	[tilespmem:$0x18400] =	vst v63  }
0xf6: {  	s12 =	simm.s32 $0x2C00  }
0xf7: {  	[tilespmem:s12], [sflag:$0x1] =	stream.indirect_vreg.gather [hbm4b:s5+s3], $0x80, v4, vm0, $0xb8;
	[tilespmem:$0x18400] =	vst v63  }
0xf8: {  	s13 =	simm.s32 $0x3400  }
0xf9: {  	[tilespmem:s13], [sflag:$0x1] =	stream.indirect_vreg.gather [hbm4b:s2+s3], $0x80, v3, vm0, $0xb8;
	[tilespmem:$0x18400] =	vst v63  }
0xfa: {  	s20 =	simm.s32 $0x3C00  }
0xfb: {  	[tilespmem:s20], [sflag:$0x1] =	stream.indirect_vreg.gather [hbm4b:s5+s3], $0x80, v3, vm0, $0xb8;
	[tilespmem:$0x18400] =	vst v63  }
0xfc: {  	v3 =	vld [tilespmem:$0xE0];
	_ =	sdelay $0x4  }
0xfd: {  	v14 =	vshll.u32 v3, $0x2  }
0xfe: {  	v3 =	vand.u32 $0x7, v3;
	v4 =	vand.u32 $0xFFFFFFE0, v14  }
0xff: {  	v3 =	vor.u32 v3, v4  }
0x100: {  	v4 =	vperm.xlane v3, v0;
	_ =	sdelay $0x1  }
0x101: {  	v4 =	vadd.s32 v1, v4;
	_ =	sdelay $0x1  }
0x102: {  	v3 =	vperm.xlane v3, v2;
	_ =	sdelay $0x1  }
0x103: {  	s14 =	simm.s32 $0x4400;
	v3 =	vadd.s32 v1, v3  }
0x104: {  	[tilespmem:s14], [sflag:$0x1] =	stream.indirect_vreg.gather [hbm4b:s2+s3], $0x80, v4, vm0, $0xb8;
	[tilespmem:$0x18400] =	vst v63  }
0x105: {  	s15 =	simm.s32 $0x4C00  }
0x106: {  	[tilespmem:s15], [sflag:$0x1] =	stream.indirect_vreg.gather [hbm4b:s5+s3], $0x80, v4, vm0, $0xb8;
	[tilespmem:$0x18400] =	vst v63  }
0x107: {  	s16 =	simm.s32 $0x5400  }
0x108: {  	[tilespmem:s16], [sflag:$0x1] =	stream.indirect_vreg.gather [hbm4b:s2+s3], $0x80, v3, vm0, $0xb8;
	[tilespmem:$0x18400] =	vst v63  }
0x109: {  	s21 =	simm.s32 $0x5C00  }
0x10a: {  	[tilespmem:s21], [sflag:$0x1] =	stream.indirect_vreg.gather [hbm4b:s5+s3], $0x80, v3, vm0, $0xb8;
	[tilespmem:$0x18400] =	vst v63  }
0x10b: {  	v3 =	vld [tilespmem:$0xF0];
	_ =	sdelay $0x4  }
0x10c: {  	v15 =	vshll.u32 v3, $0x2  }
0x10d: {  	v3 =	vand.u32 $0x7, v3;
	v4 =	vand.u32 $0xFFFFFFE0, v15  }
0x10e: {  	v3 =	vor.u32 v3, v4  }
0x10f: {  	v4 =	vperm.xlane v3, v0;
	_ =	sdelay $0x1  }
0x110: {  	v4 =	vadd.s32 v1, v4;
	_ =	sdelay $0x1  }
0x111: {  	v3 =	vperm.xlane v3, v2;
	_ =	sdelay $0x1  }
0x112: {  	s17 =	simm.s32 $0x6400;
	v3 =	vadd.s32 v1, v3  }
0x113: {  	[tilespmem:s17], [sflag:$0x1] =	stream.indirect_vreg.gather [hbm4b:s2+s3], $0x80, v4, vm0, $0xb8;
	[tilespmem:$0x18400] =	vst v63  }
0x114: {  	s18 =	simm.s32 $0x6C00  }
0x115: {  	[tilespmem:s18], [sflag:$0x1] =	stream.indirect_vreg.gather [hbm4b:s5+s3], $0x80, v4, vm0, $0xb8;
	[tilespmem:$0x18400] =	vst v63  }
0x116: {  	s19 =	simm.s32 $0x7400  }
0x117: {  	[tilespmem:s19], [sflag:$0x1] =	stream.indirect_vreg.gather [hbm4b:s2+s3], $0x80, v3, vm0, $0xb8;
	[tilespmem:$0x18400] =	vst v63  }
0x118: {  	s22 =	simm.s32 $0x7C00  }
0x119: {  	[tilespmem:s22], [sflag:$0x1] =	stream.indirect_vreg.gather [hbm4b:s5+s3], $0x80, v3, vm0, $0xb8;
	[tilespmem:$0x18400] =	vst v63  }
0x11a: {  	_ =	swait.ge [sflag:s30], $0x8000  }
0x11b: {  	[sflag:s30] =	ssyncset.done $0x0  }
0x11c: {  	s7 =	rddreg [dreg:$0x5];
	[sflag:s30] =	ssyncadd.s32 $0xFFFF8000  }
0x11d: {  	[hbm4b:s7+s3] =	stream.linear.scatter [tilespmem:s31], [sflag:$0x5], $0x8000, $0x38;
	[tilespmem:$0x18400] =	vst v63  }
0x11e: {  	_ =	swait.ge [sflag:s0], $0x8000  }
0x11f: {  	[sflag:s0] =	ssyncset.done $0x0  }
0x120: {  	[sflag:s0] =	ssyncadd.s32 $0xFFFF8000  }
0x121: {  	v3 =	vld [tilespmem:$0x100];
	_ =	sdelay $0x4  }
0x122: {  	v16 =	vshll.u32 v3, $0x2  }
0x123: {  	v3 =	vand.u32 $0x7, v3;
	v4 =	vand.u32 $0xFFFFFFE0, v16  }
0x124: {  	v3 =	vor.u32 v3, v4  }
0x125: {  	v4 =	vperm.xlane v3, v0;
	_ =	sdelay $0x1  }
0x126: {  	v4 =	vadd.s32 v1, v4;
	_ =	sdelay $0x1  }
0x127: {  	v3 =	vperm.xlane v3, v2;
	_ =	sdelay $0x1  }
0x128: {  	v3 =	vadd.s32 v1, v3  }
0x129: {  	[tilespmem:s31], [sflag:$0x2] =	stream.indirect_vreg.gather [hbm4b:s2+s3], $0x80, v4, vm0, $0xb8;
	[tilespmem:$0x18400] =	vst v63  }
0x12a: {  	s7 =	simm.s32 $0x8C00  }
0x12b: {  	[tilespmem:s7], [sflag:$0x2] =	stream.indirect_vreg.gather [hbm4b:s5+s3], $0x80, v4, vm0, $0xb8;
	[tilespmem:$0x18400] =	vst v63  }
0x12c: {  	s7 =	simm.s32 $0x9400  }
0x12d: {  	[tilespmem:s7], [sflag:$0x2] =	stream.indirect_vreg.gather [hbm4b:s2+s3], $0x80, v3, vm0, $0xb8;
	[tilespmem:$0x18400] =	vst v63  }
0x12e: {  	s25 =	simm.s32 $0x9C00  }
0x12f: {  	[tilespmem:s25], [sflag:$0x2] =	stream.indirect_vreg.gather [hbm4b:s5+s3], $0x80, v3, vm0, $0xb8;
	[tilespmem:$0x18400] =	vst v63  }
0x130: {  	v3 =	vld [tilespmem:$0x110];
	_ =	sdelay $0x4  }
0x131: {  	v17 =	vshll.u32 v3, $0x2  }
0x132: {  	v3 =	vand.u32 $0x7, v3;
	v4 =	vand.u32 $0xFFFFFFE0, v17  }
0x133: {  	v3 =	vor.u32 v3, v4  }
0x134: {  	v4 =	vperm.xlane v3, v0;
	_ =	sdelay $0x1  }
0x135: {  	v4 =	vadd.s32 v1, v4;
	_ =	sdelay $0x1  }
0x136: {  	v3 =	vperm.xlane v3, v2;
	_ =	sdelay $0x1  }
0x137: {  	s25 =	simm.s32 $0xA400;
	v3 =	vadd.s32 v1, v3  }
0x138: {  	[tilespmem:s25], [sflag:$0x2] =	stream.indirect_vreg.gather [hbm4b:s2+s3], $0x80, v4, vm0, $0xb8;
	[tilespmem:$0x18400] =	vst v63  }
0x139: {  	s25 =	simm.s32 $0xAC00  }
0x13a: {  	[tilespmem:s25], [sflag:$0x2] =	stream.indirect_vreg.gather [hbm4b:s5+s3], $0x80, v4, vm0, $0xb8;
	[tilespmem:$0x18400] =	vst v63  }
0x13b: {  	s25 =	simm.s32 $0xB400  }
0x13c: {  	[tilespmem:s25], [sflag:$0x2] =	stream.indirect_vreg.gather [hbm4b:s2+s3], $0x80, v3, vm0, $0xb8;
	[tilespmem:$0x18400] =	vst v63  }
0x13d: {  	s26 =	simm.s32 $0xBC00  }
0x13e: {  	[tilespmem:s26], [sflag:$0x2] =	stream.indirect_vreg.gather [hbm4b:s5+s3], $0x80, v3, vm0, $0xb8;
	[tilespmem:$0x18400] =	vst v63  }
0x13f: {  	v3 =	vld [tilespmem:$0x120];
	_ =	sdelay $0x4  }
0x140: {  	v18 =	vshll.u32 v3, $0x2  }
0x141: {  	v3 =	vand.u32 $0x7, v3;
	v4 =	vand.u32 $0xFFFFFFE0, v18  }
0x142: {  	v3 =	vor.u32 v3, v4  }
0x143: {  	v4 =	vperm.xlane v3, v0;
	_ =	sdelay $0x1  }
0x144: {  	v4 =	vadd.s32 v1, v4;
	_ =	sdelay $0x1  }
0x145: {  	v3 =	vperm.xlane v3, v2;
	_ =	sdelay $0x1  }
0x146: {  	s26 =	simm.s32 $0xC400;
	v3 =	vadd.s32 v1, v3  }
0x147: {  	[tilespmem:s26], [sflag:$0x2] =	stream.indirect_vreg.gather [hbm4b:s2+s3], $0x80, v4, vm0, $0xb8;
	[tilespmem:$0x18400] =	vst v63  }
0x148: {  	s25 =	simm.s32 $0xCC00  }
0x149: {  	[tilespmem:s25], [sflag:$0x2] =	stream.indirect_vreg.gather [hbm4b:s5+s3], $0x80, v4, vm0, $0xb8;
	[tilespmem:$0x18400] =	vst v63  }
0x14a: {  	s26 =	simm.s32 $0xD400  }
0x14b: {  	[tilespmem:s26], [sflag:$0x2] =	stream.indirect_vreg.gather [hbm4b:s2+s3], $0x80, v3, vm0, $0xb8;
	[tilespmem:$0x18400] =	vst v63  }
0x14c: {  	s25 =	simm.s32 $0xDC00  }
0x14d: {  	[tilespmem:s25], [sflag:$0x2] =	stream.indirect_vreg.gather [hbm4b:s5+s3], $0x80, v3, vm0, $0xb8;
	[tilespmem:$0x18400] =	vst v63  }
0x14e: {  	v3 =	vld [tilespmem:$0x130];
	_ =	sdelay $0x4  }
0x14f: {  	v19 =	vshll.u32 v3, $0x2  }
0x150: {  	v3 =	vand.u32 $0x7, v3;
	v4 =	vand.u32 $0xFFFFFFE0, v19  }
0x151: {  	v3 =	vor.u32 v3, v4  }
0x152: {  	v4 =	vperm.xlane v3, v0;
	_ =	sdelay $0x1  }
0x153: {  	v4 =	vadd.s32 v1, v4;
	_ =	sdelay $0x1  }
0x154: {  	v3 =	vperm.xlane v3, v2;
	_ =	sdelay $0x1  }
0x155: {  	s26 =	simm.s32 $0xE400;
	v3 =	vadd.s32 v1, v3  }
0x156: {  	[tilespmem:s26], [sflag:$0x2] =	stream.indirect_vreg.gather [hbm4b:s2+s3], $0x80, v4, vm0, $0xb8;
	[tilespmem:$0x18400] =	vst v63  }
0x157: {  	s25 =	simm.s32 $0xEC00  }
0x158: {  	[tilespmem:s25], [sflag:$0x2] =	stream.indirect_vreg.gather [hbm4b:s5+s3], $0x80, v4, vm0, $0xb8;
	[tilespmem:$0x18400] =	vst v63  }
0x159: {  	s26 =	simm.s32 $0xF400  }
0x15a: {  	[tilespmem:s26], [sflag:$0x2] =	stream.indirect_vreg.gather [hbm4b:s2+s3], $0x80, v3, vm0, $0xb8;
	[tilespmem:$0x18400] =	vst v63  }
0x15b: {  	s25 =	simm.s32 $0xFC00  }
0x15c: {  	[tilespmem:s25], [sflag:$0x2] =	stream.indirect_vreg.gather [hbm4b:s5+s3], $0x80, v3, vm0, $0xb8;
	[tilespmem:$0x18400] =	vst v63  }
0x15d: {  	_ =	swait.ge [sflag:s1], $0x8000  }
0x15e: {  	[sflag:s1] =	ssyncset.done $0x0  }
0x15f: {  	s26 =	rddreg [dreg:$0x6];
	[sflag:s1] =	ssyncadd.s32 $0xFFFF8000  }
0x160: {  	[hbm4b:s26+s3] =	stream.linear.scatter [tilespmem:s8], [sflag:$0x6], $0x8000, $0x38;
	[tilespmem:$0x18400] =	vst v63  }
0x161: {  	_ =	swait.ge [sflag:s4], $0x8000  }
0x162: {  	[sflag:s4] =	ssyncset.done $0x0  }
0x163: {  	[sflag:s4] =	ssyncadd.s32 $0xFFFF8000  }
0x164: {  	v3 =	vld [tilespmem:$0x140];
	_ =	sdelay $0x4  }
0x165: {  	v20 =	vshll.u32 v3, $0x2  }
0x166: {  	v3 =	vand.u32 $0x7, v3;
	v4 =	vand.u32 $0xFFFFFFE0, v20  }
0x167: {  	v3 =	vor.u32 v3, v4  }
0x168: {  	v4 =	vperm.xlane v3, v0;
	_ =	sdelay $0x1  }
0x169: {  	v4 =	vadd.s32 v1, v4;
	_ =	sdelay $0x1  }
0x16a: {  	v3 =	vperm.xlane v3, v2;
	_ =	sdelay $0x1  }
0x16b: {  	v3 =	vadd.s32 v1, v3  }
0x16c: {  	[tilespmem:s8], [sflag:$0x3] =	stream.indirect_vreg.gather [hbm4b:s2+s3], $0x80, v4, vm0, $0xb8;
	[tilespmem:$0x18400] =	vst v63  }
0x16d: {  	s25 =	simm.s32 $0x10C00  }
0x16e: {  	[tilespmem:s25], [sflag:$0x3] =	stream.indirect_vreg.gather [hbm4b:s5+s3], $0x80, v4, vm0, $0xb8;
	[tilespmem:$0x18400] =	vst v63  }
0x16f: {  	s26 =	simm.s32 $0x11400  }
0x170: {  	[tilespmem:s26], [sflag:$0x3] =	stream.indirect_vreg.gather [hbm4b:s2+s3], $0x80, v3, vm0, $0xb8;
	[tilespmem:$0x18400] =	vst v63  }
0x171: {  	s7 =	simm.s32 $0x11C00  }
0x172: {  	[tilespmem:s7], [sflag:$0x3] =	stream.indirect_vreg.gather [hbm4b:s5+s3], $0x80, v3, vm0, $0xb8;
	[tilespmem:$0x18400] =	vst v63  }
0x173: {  	v3 =	vld [tilespmem:$0x150];
	_ =	sdelay $0x4  }
0x174: {  	v21 =	vshll.u32 v3, $0x2  }
0x175: {  	v3 =	vand.u32 $0x7, v3;
	v4 =	vand.u32 $0xFFFFFFE0, v21  }
0x176: {  	v3 =	vor.u32 v3, v4  }
0x177: {  	v4 =	vperm.xlane v3, v0;
	_ =	sdelay $0x1  }
0x178: {  	v4 =	vadd.s32 v1, v4;
	_ =	sdelay $0x1  }
0x179: {  	v3 =	vperm.xlane v3, v2;
	_ =	sdelay $0x1  }
0x17a: {  	s7 =	simm.s32 $0x12400;
	v3 =	vadd.s32 v1, v3  }
0x17b: {  	[tilespmem:s7], [sflag:$0x3] =	stream.indirect_vreg.gather [hbm4b:s2+s3], $0x80, v4, vm0, $0xb8;
	[tilespmem:$0x18400] =	vst v63  }
0x17c: {  	s7 =	simm.s32 $0x12C00  }
0x17d: {  	[tilespmem:s7], [sflag:$0x3] =	stream.indirect_vreg.gather [hbm4b:s5+s3], $0x80, v4, vm0, $0xb8;
	[tilespmem:$0x18400] =	vst v63  }
0x17e: {  	s7 =	simm.s32 $0x13400  }
0x17f: {  	[tilespmem:s7], [sflag:$0x3] =	stream.indirect_vreg.gather [hbm4b:s2+s3], $0x80, v3, vm0, $0xb8;
	[tilespmem:$0x18400] =	vst v63  }
0x180: {  	s7 =	simm.s32 $0x13C00  }
0x181: {  	[tilespmem:s7], [sflag:$0x3] =	stream.indirect_vreg.gather [hbm4b:s5+s3], $0x80, v3, vm0, $0xb8;
	[tilespmem:$0x18400] =	vst v63  }
0x182: {  	v3 =	vld [tilespmem:$0x160];
	_ =	sdelay $0x4  }
0x183: {  	v22 =	vshll.u32 v3, $0x2  }
0x184: {  	v3 =	vand.u32 $0x7, v3;
	v4 =	vand.u32 $0xFFFFFFE0, v22  }
0x185: {  	v3 =	vor.u32 v3, v4  }
0x186: {  	v4 =	vperm.xlane v3, v0;
	_ =	sdelay $0x1  }
0x187: {  	v4 =	vadd.s32 v1, v4;
	_ =	sdelay $0x1  }
0x188: {  	v3 =	vperm.xlane v3, v2;
	_ =	sdelay $0x1  }
0x189: {  	s7 =	simm.s32 $0x14400;
	v3 =	vadd.s32 v1, v3  }
0x18a: {  	[tilespmem:s7], [sflag:$0x3] =	stream.indirect_vreg.gather [hbm4b:s2+s3], $0x80, v4, vm0, $0xb8;
	[tilespmem:$0x18400] =	vst v63  }
0x18b: {  	s7 =	simm.s32 $0x14C00  }
0x18c: {  	[tilespmem:s7], [sflag:$0x3] =	stream.indirect_vreg.gather [hbm4b:s5+s3], $0x80, v4, vm0, $0xb8;
	[tilespmem:$0x18400] =	vst v63  }
0x18d: {  	s7 =	simm.s32 $0x15400  }
0x18e: {  	[tilespmem:s7], [sflag:$0x3] =	stream.indirect_vreg.gather [hbm4b:s2+s3], $0x80, v3, vm0, $0xb8;
	[tilespmem:$0x18400] =	vst v63  }
0x18f: {  	s7 =	simm.s32 $0x15C00  }
0x190: {  	[tilespmem:s7], [sflag:$0x3] =	stream.indirect_vreg.gather [hbm4b:s5+s3], $0x80, v3, vm0, $0xb8;
	[tilespmem:$0x18400] =	vst v63  }
0x191: {  	v3 =	vld [tilespmem:$0x170];
	_ =	sdelay $0x4  }
0x192: {  	v23 =	vshll.u32 v3, $0x2  }
0x193: {  	v3 =	vand.u32 $0x7, v3;
	v4 =	vand.u32 $0xFFFFFFE0, v23  }
0x194: {  	v3 =	vor.u32 v3, v4  }
0x195: {  	v4 =	vperm.xlane v3, v0;
	_ =	sdelay $0x1  }
0x196: {  	v4 =	vadd.s32 v1, v4;
	_ =	sdelay $0x1  }
0x197: {  	v3 =	vperm.xlane v3, v2;
	_ =	sdelay $0x1  }
0x198: {  	s7 =	simm.s32 $0x16400;
	v3 =	vadd.s32 v1, v3  }
0x199: {  	[tilespmem:s7], [sflag:$0x3] =	stream.indirect_vreg.gather [hbm4b:s2+s3], $0x80, v4, vm0, $0xb8;
	[tilespmem:$0x18400] =	vst v63  }
0x19a: {  	s7 =	simm.s32 $0x16C00  }
0x19b: {  	[tilespmem:s7], [sflag:$0x3] =	stream.indirect_vreg.gather [hbm4b:s5+s3], $0x80, v4, vm0, $0xb8;
	[tilespmem:$0x18400] =	vst v63  }
0x19c: {  	s7 =	simm.s32 $0x17400  }
0x19d: {  	[tilespmem:s7], [sflag:$0x3] =	stream.indirect_vreg.gather [hbm4b:s2+s3], $0x80, v3, vm0, $0xb8;
	[tilespmem:$0x18400] =	vst v63  }
0x19e: {  	s7 =	simm.s32 $0x17C00  }
0x19f: {  	[tilespmem:s7], [sflag:$0x3] =	stream.indirect_vreg.gather [hbm4b:s5+s3], $0x80, v3, vm0, $0xb8;
	[tilespmem:$0x18400] =	vst v63  }
0x1a0: {  	_ =	swait.ge [sflag:s28], $0x8000  }
0x1a1: {  	[sflag:s28] =	ssyncset.done $0x0  }
0x1a2: {  	s7 =	rddreg [dreg:$0x7];
	[sflag:s28] =	ssyncadd.s32 $0xFFFF8000  }
0x1a3: {  	[hbm4b:s7+s3] =	stream.linear.scatter [tilespmem:s23], [sflag:$0x4], $0x8000, $0x38;
	[tilespmem:$0x18400] =	vst v63  }
0x1a4: {  	_ =	swait.ge [sflag:s29], $0x8000  }
0x1a5: {  	[sflag:s29] =	ssyncset.done $0x0  }
0x1a6: {  	[sflag:s29] =	ssyncadd.s32 $0xFFFF8000  }
0x1a7: {  	v3 =	vld [tilespmem:$0x180];
	_ =	sdelay $0x4  }
0x1a8: {  	v24 =	vshll.u32 v3, $0x2  }
0x1a9: {  	v3 =	vand.u32 $0x7, v3;
	v4 =	vand.u32 $0xFFFFFFE0, v24  }
0x1aa: {  	v3 =	vor.u32 v3, v4  }
0x1ab: {  	v4 =	vperm.xlane v3, v0;
	_ =	sdelay $0x1  }
0x1ac: {  	v4 =	vadd.s32 v1, v4;
	_ =	sdelay $0x1  }
0x1ad: {  	v3 =	vperm.xlane v3, v2;
	_ =	sdelay $0x1  }
0x1ae: {  	v3 =	vadd.s32 v1, v3  }
0x1af: {  	[tilespmem:s23], [sflag:$0x1] =	stream.indirect_vreg.gather [hbm4b:s2+s3], $0x80, v4, vm0, $0xb8;
	[tilespmem:$0x18400] =	vst v63  }
0x1b0: {  	s9 =	simm.s32 $0xC00  }
0x1b1: {  	[tilespmem:s9], [sflag:$0x1] =	stream.indirect_vreg.gather [hbm4b:s5+s3], $0x80, v4, vm0, $0xb8;
	[tilespmem:$0x18400] =	vst v63  }
0x1b2: {  	s10 =	simm.s32 $0x1400  }
0x1b3: {  	[tilespmem:s10], [sflag:$0x1] =	stream.indirect_vreg.gather [hbm4b:s2+s3], $0x80, v3, vm0, $0xb8;
	[tilespmem:$0x18400] =	vst v63  }
0x1b4: {  	s24 =	simm.s32 $0x1C00  }
0x1b5: {  	[tilespmem:s24], [sflag:$0x1] =	stream.indirect_vreg.gather [hbm4b:s5+s3], $0x80, v3, vm0, $0xb8;
	[tilespmem:$0x18400] =	vst v63  }
0x1b6: {  	v3 =	vld [tilespmem:$0x190];
	_ =	sdelay $0x4  }
0x1b7: {  	v25 =	vshll.u32 v3, $0x2  }
0x1b8: {  	v3 =	vand.u32 $0x7, v3;
	v4 =	vand.u32 $0xFFFFFFE0, v25  }
0x1b9: {  	v3 =	vor.u32 v3, v4  }
0x1ba: {  	v4 =	vperm.xlane v3, v0;
	_ =	sdelay $0x1  }
0x1bb: {  	v4 =	vadd.s32 v1, v4;
	_ =	sdelay $0x1  }
0x1bc: {  	v3 =	vperm.xlane v3, v2;
	_ =	sdelay $0x1  }
0x1bd: {  	s11 =	simm.s32 $0x2400;
	v3 =	vadd.s32 v1, v3  }
0x1be: {  	[tilespmem:s11], [sflag:$0x1] =	stream.indirect_vreg.gather [hbm4b:s2+s3], $0x80, v4, vm0, $0xb8;
	[tilespmem:$0x18400] =	vst v63  }
0x1bf: {  	s12 =	simm.s32 $0x2C00  }
0x1c0: {  	[tilespmem:s12], [sflag:$0x1] =	stream.indirect_vreg.gather [hbm4b:s5+s3], $0x80, v4, vm0, $0xb8;
	[tilespmem:$0x18400] =	vst v63  }
0x1c1: {  	s13 =	simm.s32 $0x3400  }
0x1c2: {  	[tilespmem:s13], [sflag:$0x1] =	stream.indirect_vreg.gather [hbm4b:s2+s3], $0x80, v3, vm0, $0xb8;
	[tilespmem:$0x18400] =	vst v63  }
0x1c3: {  	s20 =	simm.s32 $0x3C00  }
0x1c4: {  	[tilespmem:s20], [sflag:$0x1] =	stream.indirect_vreg.gather [hbm4b:s5+s3], $0x80, v3, vm0, $0xb8;
	[tilespmem:$0x18400] =	vst v63  }
0x1c5: {  	v3 =	vld [tilespmem:$0x1A0];
	_ =	sdelay $0x4  }
0x1c6: {  	v26 =	vshll.u32 v3, $0x2  }
0x1c7: {  	v3 =	vand.u32 $0x7, v3;
	v4 =	vand.u32 $0xFFFFFFE0, v26  }
0x1c8: {  	v3 =	vor.u32 v3, v4  }
0x1c9: {  	v4 =	vperm.xlane v3, v0;
	_ =	sdelay $0x1  }
0x1ca: {  	v4 =	vadd.s32 v1, v4;
	_ =	sdelay $0x1  }
0x1cb: {  	v3 =	vperm.xlane v3, v2;
	_ =	sdelay $0x1  }
0x1cc: {  	s14 =	simm.s32 $0x4400;
	v3 =	vadd.s32 v1, v3  }
0x1cd: {  	[tilespmem:s14], [sflag:$0x1] =	stream.indirect_vreg.gather [hbm4b:s2+s3], $0x80, v4, vm0, $0xb8;
	[tilespmem:$0x18400] =	vst v63  }
0x1ce: {  	s15 =	simm.s32 $0x4C00  }
0x1cf: {  	[tilespmem:s15], [sflag:$0x1] =	stream.indirect_vreg.gather [hbm4b:s5+s3], $0x80, v4, vm0, $0xb8;
	[tilespmem:$0x18400] =	vst v63  }
0x1d0: {  	s16 =	simm.s32 $0x5400  }
0x1d1: {  	[tilespmem:s16], [sflag:$0x1] =	stream.indirect_vreg.gather [hbm4b:s2+s3], $0x80, v3, vm0, $0xb8;
	[tilespmem:$0x18400] =	vst v63  }
0x1d2: {  	s21 =	simm.s32 $0x5C00  }
0x1d3: {  	[tilespmem:s21], [sflag:$0x1] =	stream.indirect_vreg.gather [hbm4b:s5+s3], $0x80, v3, vm0, $0xb8;
	[tilespmem:$0x18400] =	vst v63  }
0x1d4: {  	v3 =	vld [tilespmem:$0x1B0];
	_ =	sdelay $0x4  }
0x1d5: {  	v27 =	vshll.u32 v3, $0x2  }
0x1d6: {  	v3 =	vand.u32 $0x7, v3;
	v4 =	vand.u32 $0xFFFFFFE0, v27  }
0x1d7: {  	v3 =	vor.u32 v3, v4  }
0x1d8: {  	v4 =	vperm.xlane v3, v0;
	_ =	sdelay $0x1  }
0x1d9: {  	v4 =	vadd.s32 v1, v4;
	_ =	sdelay $0x1  }
0x1da: {  	v3 =	vperm.xlane v3, v2;
	_ =	sdelay $0x1  }
0x1db: {  	s17 =	simm.s32 $0x6400;
	v3 =	vadd.s32 v1, v3  }
0x1dc: {  	[tilespmem:s17], [sflag:$0x1] =	stream.indirect_vreg.gather [hbm4b:s2+s3], $0x80, v4, vm0, $0xb8;
	[tilespmem:$0x18400] =	vst v63  }
0x1dd: {  	s18 =	simm.s32 $0x6C00  }
0x1de: {  	[tilespmem:s18], [sflag:$0x1] =	stream.indirect_vreg.gather [hbm4b:s5+s3], $0x80, v4, vm0, $0xb8;
	[tilespmem:$0x18400] =	vst v63  }
0x1df: {  	s19 =	simm.s32 $0x7400  }
0x1e0: {  	[tilespmem:s19], [sflag:$0x1] =	stream.indirect_vreg.gather [hbm4b:s2+s3], $0x80, v3, vm0, $0xb8;
	[tilespmem:$0x18400] =	vst v63  }
0x1e1: {  	s22 =	simm.s32 $0x7C00  }
0x1e2: {  	[tilespmem:s22], [sflag:$0x1] =	stream.indirect_vreg.gather [hbm4b:s5+s3], $0x80, v3, vm0, $0xb8;
	[tilespmem:$0x18400] =	vst v63  }
0x1e3: {  	_ =	swait.ge [sflag:s30], $0x8000  }
0x1e4: {  	[sflag:s30] =	ssyncset.done $0x0  }
0x1e5: {  	s7 =	rddreg [dreg:$0x8];
	[sflag:s30] =	ssyncadd.s32 $0xFFFF8000  }
0x1e6: {  	[hbm4b:s7+s3] =	stream.linear.scatter [tilespmem:s31], [sflag:$0x5], $0x8000, $0x38;
	[tilespmem:$0x18400] =	vst v63  }
0x1e7: {  	_ =	swait.ge [sflag:s0], $0x8000  }
0x1e8: {  	[sflag:s0] =	ssyncset.done $0x0  }
0x1e9: {  	[sflag:s0] =	ssyncadd.s32 $0xFFFF8000  }
0x1ea: {  	v3 =	vld [tilespmem:$0x1C0];
	_ =	sdelay $0x4  }
0x1eb: {  	v28 =	vshll.u32 v3, $0x2  }
0x1ec: {  	v3 =	vand.u32 $0x7, v3;
	v4 =	vand.u32 $0xFFFFFFE0, v28  }
0x1ed: {  	v3 =	vor.u32 v3, v4  }
0x1ee: {  	v4 =	vperm.xlane v3, v0;
	_ =	sdelay $0x1  }
0x1ef: {  	v4 =	vadd.s32 v1, v4;
	_ =	sdelay $0x1  }
0x1f0: {  	v3 =	vperm.xlane v3, v2;
	_ =	sdelay $0x1  }
0x1f1: {  	v3 =	vadd.s32 v1, v3  }
0x1f2: {  	[tilespmem:s31], [sflag:$0x2] =	stream.indirect_vreg.gather [hbm4b:s2+s3], $0x80, v4, vm0, $0xb8;
	[tilespmem:$0x18400] =	vst v63  }
0x1f3: {  	s7 =	simm.s32 $0x8C00  }
0x1f4: {  	[tilespmem:s7], [sflag:$0x2] =	stream.indirect_vreg.gather [hbm4b:s5+s3], $0x80, v4, vm0, $0xb8;
	[tilespmem:$0x18400] =	vst v63  }
0x1f5: {  	s7 =	simm.s32 $0x9400  }
0x1f6: {  	[tilespmem:s7], [sflag:$0x2] =	stream.indirect_vreg.gather [hbm4b:s2+s3], $0x80, v3, vm0, $0xb8;
	[tilespmem:$0x18400] =	vst v63  }
0x1f7: {  	s7 =	simm.s32 $0x9C00  }
0x1f8: {  	[tilespmem:s7], [sflag:$0x2] =	stream.indirect_vreg.gather [hbm4b:s5+s3], $0x80, v3, vm0, $0xb8;
	[tilespmem:$0x18400] =	vst v63  }
0x1f9: {  	v3 =	vld [tilespmem:$0x1D0];
	_ =	sdelay $0x4  }
0x1fa: {  	v29 =	vshll.u32 v3, $0x2  }
0x1fb: {  	v3 =	vand.u32 $0x7, v3;
	v4 =	vand.u32 $0xFFFFFFE0, v29  }
0x1fc: {  	v3 =	vor.u32 v3, v4  }
0x1fd: {  	v4 =	vperm.xlane v3, v0;
	_ =	sdelay $0x1  }
0x1fe: {  	v4 =	vadd.s32 v1, v4;
	_ =	sdelay $0x1  }
0x1ff: {  	v3 =	vperm.xlane v3, v2;
	_ =	sdelay $0x1  }
0x200: {  	s7 =	simm.s32 $0xA400;
	v3 =	vadd.s32 v1, v3  }
0x201: {  	[tilespmem:s7], [sflag:$0x2] =	stream.indirect_vreg.gather [hbm4b:s2+s3], $0x80, v4, vm0, $0xb8;
	[tilespmem:$0x18400] =	vst v63  }
0x202: {  	s7 =	simm.s32 $0xAC00  }
0x203: {  	[tilespmem:s7], [sflag:$0x2] =	stream.indirect_vreg.gather [hbm4b:s5+s3], $0x80, v4, vm0, $0xb8;
	[tilespmem:$0x18400] =	vst v63  }
0x204: {  	s7 =	simm.s32 $0xB400  }
0x205: {  	[tilespmem:s7], [sflag:$0x2] =	stream.indirect_vreg.gather [hbm4b:s2+s3], $0x80, v3, vm0, $0xb8;
	[tilespmem:$0x18400] =	vst v63  }
0x206: {  	s7 =	simm.s32 $0xBC00  }
0x207: {  	[tilespmem:s7], [sflag:$0x2] =	stream.indirect_vreg.gather [hbm4b:s5+s3], $0x80, v3, vm0, $0xb8;
	[tilespmem:$0x18400] =	vst v63  }
0x208: {  	v3 =	vld [tilespmem:$0x1E0];
	_ =	sdelay $0x4  }
0x209: {  	v30 =	vshll.u32 v3, $0x2  }
0x20a: {  	v3 =	vand.u32 $0x7, v3;
	v4 =	vand.u32 $0xFFFFFFE0, v30  }
0x20b: {  	v3 =	vor.u32 v3, v4  }
0x20c: {  	v4 =	vperm.xlane v3, v0;
	_ =	sdelay $0x1  }
0x20d: {  	v4 =	vadd.s32 v1, v4;
	_ =	sdelay $0x1  }
0x20e: {  	v3 =	vperm.xlane v3, v2;
	_ =	sdelay $0x1  }
0x20f: {  	s7 =	simm.s32 $0xC400;
	v3 =	vadd.s32 v1, v3  }
0x210: {  	[tilespmem:s7], [sflag:$0x2] =	stream.indirect_vreg.gather [hbm4b:s2+s3], $0x80, v4, vm0, $0xb8;
	[tilespmem:$0x18400] =	vst v63  }
0x211: {  	s7 =	simm.s32 $0xCC00  }
0x212: {  	[tilespmem:s7], [sflag:$0x2] =	stream.indirect_vreg.gather [hbm4b:s5+s3], $0x80, v4, vm0, $0xb8;
	[tilespmem:$0x18400] =	vst v63  }
0x213: {  	s7 =	simm.s32 $0xD400  }
0x214: {  	[tilespmem:s7], [sflag:$0x2] =	stream.indirect_vreg.gather [hbm4b:s2+s3], $0x80, v3, vm0, $0xb8;
	[tilespmem:$0x18400] =	vst v63  }
0x215: {  	s7 =	simm.s32 $0xDC00  }
0x216: {  	[tilespmem:s7], [sflag:$0x2] =	stream.indirect_vreg.gather [hbm4b:s5+s3], $0x80, v3, vm0, $0xb8;
	[tilespmem:$0x18400] =	vst v63  }
0x217: {  	v3 =	vld [tilespmem:$0x1F0];
	_ =	sdelay $0x4  }
0x218: {  	v31 =	vshll.u32 v3, $0x2  }
0x219: {  	v3 =	vand.u32 $0x7, v3;
	v4 =	vand.u32 $0xFFFFFFE0, v31  }
0x21a: {  	v3 =	vor.u32 v3, v4  }
0x21b: {  	v4 =	vperm.xlane v3, v0;
	_ =	sdelay $0x1  }
0x21c: {  	v4 =	vadd.s32 v1, v4;
	_ =	sdelay $0x1  }
0x21d: {  	v3 =	vperm.xlane v3, v2;
	_ =	sdelay $0x1  }
0x21e: {  	s7 =	simm.s32 $0xE400;
	v3 =	vadd.s32 v1, v3  }
0x21f: {  	[tilespmem:s7], [sflag:$0x2] =	stream.indirect_vreg.gather [hbm4b:s2+s3], $0x80, v4, vm0, $0xb8;
	[tilespmem:$0x18400] =	vst v63  }
0x220: {  	s7 =	simm.s32 $0xEC00  }
0x221: {  	[tilespmem:s7], [sflag:$0x2] =	stream.indirect_vreg.gather [hbm4b:s5+s3], $0x80, v4, vm0, $0xb8;
	[tilespmem:$0x18400] =	vst v63  }
0x222: {  	s7 =	simm.s32 $0xF400  }
0x223: {  	[tilespmem:s7], [sflag:$0x2] =	stream.indirect_vreg.gather [hbm4b:s2+s3], $0x80, v3, vm0, $0xb8;
	[tilespmem:$0x18400] =	vst v63  }
0x224: {  	s7 =	simm.s32 $0xFC00  }
0x225: {  	[tilespmem:s7], [sflag:$0x2] =	stream.indirect_vreg.gather [hbm4b:s5+s3], $0x80, v3, vm0, $0xb8;
	[tilespmem:$0x18400] =	vst v63  }
0x226: {  	_ =	swait.ge [sflag:s1], $0x8000  }
0x227: {  	[sflag:s1] =	ssyncset.done $0x0  }
0x228: {  	s7 =	rddreg [dreg:$0x9];
	[sflag:s1] =	ssyncadd.s32 $0xFFFF8000  }
0x229: {  	[hbm4b:s7+s3] =	stream.linear.scatter [tilespmem:s8], [sflag:$0x6], $0x8000, $0x38;
	[tilespmem:$0x18400] =	vst v63  }
0x22a: {  	_ =	swait.ge [sflag:s4], $0x8000  }
0x22b: {  	[sflag:s4] =	ssyncset.done $0x0  }
0x22c: {  	[sflag:s4] =	ssyncadd.s32 $0xFFFF8000  }
0x22d: {  	v3 =	vld [tilespmem:$0x200];
	_ =	sdelay $0x4  }
0x22e: {  	v32 =	vshll.u32 v3, $0x2  }
0x22f: {  	v3 =	vand.u32 $0x7, v3;
	v4 =	vand.u32 $0xFFFFFFE0, v32  }
0x230: {  	v3 =	vor.u32 v3, v4  }
0x231: {  	v4 =	vperm.xlane v3, v0;
	_ =	sdelay $0x1  }
0x232: {  	v4 =	vadd.s32 v1, v4;
	_ =	sdelay $0x1  }
0x233: {  	v3 =	vperm.xlane v3, v2;
	_ =	sdelay $0x1  }
0x234: {  	v3 =	vadd.s32 v1, v3  }
0x235: {  	[tilespmem:s8], [sflag:$0x3] =	stream.indirect_vreg.gather [hbm4b:s2+s3], $0x80, v4, vm0, $0xb8;
	[tilespmem:$0x18400] =	vst v63  }
0x236: {  	s25 =	simm.s32 $0x10C00  }
0x237: {  	[tilespmem:s25], [sflag:$0x3] =	stream.indirect_vreg.gather [hbm4b:s5+s3], $0x80, v4, vm0, $0xb8;
	[tilespmem:$0x18400] =	vst v63  }
0x238: {  	s26 =	simm.s32 $0x11400  }
0x239: {  	[tilespmem:s26], [sflag:$0x3] =	stream.indirect_vreg.gather [hbm4b:s2+s3], $0x80, v3, vm0, $0xb8;
	[tilespmem:$0x18400] =	vst v63  }
0x23a: {  	s26 =	simm.s32 $0x11C00  }
0x23b: {  	[tilespmem:s26], [sflag:$0x3] =	stream.indirect_vreg.gather [hbm4b:s5+s3], $0x80, v3, vm0, $0xb8;
	[tilespmem:$0x18400] =	vst v63  }
0x23c: {  	v3 =	vld [tilespmem:$0x210];
	_ =	sdelay $0x4  }
0x23d: {  	v33 =	vshll.u32 v3, $0x2  }
0x23e: {  	v3 =	vand.u32 $0x7, v3;
	v4 =	vand.u32 $0xFFFFFFE0, v33  }
0x23f: {  	v3 =	vor.u32 v3, v4  }
0x240: {  	v4 =	vperm.xlane v3, v0;
	_ =	sdelay $0x1  }
0x241: {  	v4 =	vadd.s32 v1, v4;
	_ =	sdelay $0x1  }
0x242: {  	v3 =	vperm.xlane v3, v2;
	_ =	sdelay $0x1  }
0x243: {  	s26 =	simm.s32 $0x12400;
	v3 =	vadd.s32 v1, v3  }
0x244: {  	[tilespmem:s26], [sflag:$0x3] =	stream.indirect_vreg.gather [hbm4b:s2+s3], $0x80, v4, vm0, $0xb8;
	[tilespmem:$0x18400] =	vst v63  }
0x245: {  	s26 =	simm.s32 $0x12C00  }
0x246: {  	[tilespmem:s26], [sflag:$0x3] =	stream.indirect_vreg.gather [hbm4b:s5+s3], $0x80, v4, vm0, $0xb8;
	[tilespmem:$0x18400] =	vst v63  }
0x247: {  	s26 =	simm.s32 $0x13400  }
0x248: {  	[tilespmem:s26], [sflag:$0x3] =	stream.indirect_vreg.gather [hbm4b:s2+s3], $0x80, v3, vm0, $0xb8;
	[tilespmem:$0x18400] =	vst v63  }
0x249: {  	s26 =	simm.s32 $0x13C00  }
0x24a: {  	[tilespmem:s26], [sflag:$0x3] =	stream.indirect_vreg.gather [hbm4b:s5+s3], $0x80, v3, vm0, $0xb8;
	[tilespmem:$0x18400] =	vst v63  }
0x24b: {  	v3 =	vld [tilespmem:$0x220];
	_ =	sdelay $0x4  }
0x24c: {  	v34 =	vshll.u32 v3, $0x2  }
0x24d: {  	v3 =	vand.u32 $0x7, v3;
	v4 =	vand.u32 $0xFFFFFFE0, v34  }
0x24e: {  	v3 =	vor.u32 v3, v4  }
0x24f: {  	v4 =	vperm.xlane v3, v0;
	_ =	sdelay $0x1  }
0x250: {  	v4 =	vadd.s32 v1, v4;
	_ =	sdelay $0x1  }
0x251: {  	v3 =	vperm.xlane v3, v2;
	_ =	sdelay $0x1  }
0x252: {  	s26 =	simm.s32 $0x14400;
	v3 =	vadd.s32 v1, v3  }
0x253: {  	[tilespmem:s26], [sflag:$0x3] =	stream.indirect_vreg.gather [hbm4b:s2+s3], $0x80, v4, vm0, $0xb8;
	[tilespmem:$0x18400] =	vst v63  }
0x254: {  	s26 =	simm.s32 $0x14C00  }
0x255: {  	[tilespmem:s26], [sflag:$0x3] =	stream.indirect_vreg.gather [hbm4b:s5+s3], $0x80, v4, vm0, $0xb8;
	[tilespmem:$0x18400] =	vst v63  }
0x256: {  	s26 =	simm.s32 $0x15400  }
0x257: {  	[tilespmem:s26], [sflag:$0x3] =	stream.indirect_vreg.gather [hbm4b:s2+s3], $0x80, v3, vm0, $0xb8;
	[tilespmem:$0x18400] =	vst v63  }
0x258: {  	s26 =	simm.s32 $0x15C00  }
0x259: {  	[tilespmem:s26], [sflag:$0x3] =	stream.indirect_vreg.gather [hbm4b:s5+s3], $0x80, v3, vm0, $0xb8;
	[tilespmem:$0x18400] =	vst v63  }
0x25a: {  	v3 =	vld [tilespmem:$0x230];
	_ =	sdelay $0x4  }
0x25b: {  	v35 =	vshll.u32 v3, $0x2  }
0x25c: {  	v3 =	vand.u32 $0x7, v3;
	v4 =	vand.u32 $0xFFFFFFE0, v35  }
0x25d: {  	v3 =	vor.u32 v3, v4  }
0x25e: {  	v4 =	vperm.xlane v3, v0;
	_ =	sdelay $0x1  }
0x25f: {  	v4 =	vadd.s32 v1, v4;
	_ =	sdelay $0x1  }
0x260: {  	v3 =	vperm.xlane v3, v2;
	_ =	sdelay $0x1  }
0x261: {  	s26 =	simm.s32 $0x16400;
	v3 =	vadd.s32 v1, v3  }
0x262: {  	[tilespmem:s26], [sflag:$0x3] =	stream.indirect_vreg.gather [hbm4b:s2+s3], $0x80, v4, vm0, $0xb8;
	[tilespmem:$0x18400] =	vst v63  }
0x263: {  	s26 =	simm.s32 $0x16C00  }
0x264: {  	[tilespmem:s26], [sflag:$0x3] =	stream.indirect_vreg.gather [hbm4b:s5+s3], $0x80, v4, vm0, $0xb8;
	[tilespmem:$0x18400] =	vst v63  }
0x265: {  	s26 =	simm.s32 $0x17400  }
0x266: {  	[tilespmem:s26], [sflag:$0x3] =	stream.indirect_vreg.gather [hbm4b:s2+s3], $0x80, v3, vm0, $0xb8;
	[tilespmem:$0x18400] =	vst v63  }
0x267: {  	s26 =	simm.s32 $0x17C00  }
0x268: {  	[tilespmem:s26], [sflag:$0x3] =	stream.indirect_vreg.gather [hbm4b:s5+s3], $0x80, v3, vm0, $0xb8;
	[tilespmem:$0x18400] =	vst v63  }
0x269: {  	_ =	swait.ge [sflag:s28], $0x8000  }
0x26a: {  	[sflag:s28] =	ssyncset.done $0x0  }
0x26b: {  	s26 =	rddreg [dreg:$0xa];
	[sflag:s28] =	ssyncadd.s32 $0xFFFF8000  }
0x26c: {  	[hbm4b:s26+s3] =	stream.linear.scatter [tilespmem:s23], [sflag:$0x4], $0x8000, $0x38;
	[tilespmem:$0x18400] =	vst v63  }
0x26d: {  	_ =	swait.ge [sflag:s29], $0x8000  }
0x26e: {  	[sflag:s29] =	ssyncset.done $0x0  }
0x26f: {  	[sflag:s29] =	ssyncadd.s32 $0xFFFF8000  }
0x270: {  	v3 =	vld [tilespmem:$0x240];
	_ =	sdelay $0x4  }
0x271: {  	v36 =	vshll.u32 v3, $0x2  }
0x272: {  	v3 =	vand.u32 $0x7, v3;
	v4 =	vand.u32 $0xFFFFFFE0, v36  }
0x273: {  	v3 =	vor.u32 v3, v4  }
0x274: {  	v4 =	vperm.xlane v3, v0;
	_ =	sdelay $0x1  }
0x275: {  	v4 =	vadd.s32 v1, v4;
	_ =	sdelay $0x1  }
0x276: {  	v3 =	vperm.xlane v3, v2;
	_ =	sdelay $0x1  }
0x277: {  	v3 =	vadd.s32 v1, v3  }
0x278: {  	[tilespmem:s23], [sflag:$0x1] =	stream.indirect_vreg.gather [hbm4b:s2+s3], $0x80, v4, vm0, $0xb8;
	[tilespmem:$0x18400] =	vst v63  }
0x279: {  	s9 =	simm.s32 $0xC00  }
0x27a: {  	[tilespmem:s9], [sflag:$0x1] =	stream.indirect_vreg.gather [hbm4b:s5+s3], $0x80, v4, vm0, $0xb8;
	[tilespmem:$0x18400] =	vst v63  }
0x27b: {  	s10 =	simm.s32 $0x1400  }
0x27c: {  	[tilespmem:s10], [sflag:$0x1] =	stream.indirect_vreg.gather [hbm4b:s2+s3], $0x80, v3, vm0, $0xb8;
	[tilespmem:$0x18400] =	vst v63  }
0x27d: {  	s24 =	simm.s32 $0x1C00  }
0x27e: {  	[tilespmem:s24], [sflag:$0x1] =	stream.indirect_vreg.gather [hbm4b:s5+s3], $0x80, v3, vm0, $0xb8;
	[tilespmem:$0x18400] =	vst v63  }
0x27f: {  	v3 =	vld [tilespmem:$0x250];
	_ =	sdelay $0x4  }
0x280: {  	v37 =	vshll.u32 v3, $0x2  }
0x281: {  	v3 =	vand.u32 $0x7, v3;
	v4 =	vand.u32 $0xFFFFFFE0, v37  }
0x282: {  	v3 =	vor.u32 v3, v4  }
0x283: {  	v4 =	vperm.xlane v3, v0;
	_ =	sdelay $0x1  }
0x284: {  	v4 =	vadd.s32 v1, v4;
	_ =	sdelay $0x1  }
0x285: {  	v3 =	vperm.xlane v3, v2;
	_ =	sdelay $0x1  }
0x286: {  	s11 =	simm.s32 $0x2400;
	v3 =	vadd.s32 v1, v3  }
0x287: {  	[tilespmem:s11], [sflag:$0x1] =	stream.indirect_vreg.gather [hbm4b:s2+s3], $0x80, v4, vm0, $0xb8;
	[tilespmem:$0x18400] =	vst v63  }
0x288: {  	s12 =	simm.s32 $0x2C00  }
0x289: {  	[tilespmem:s12], [sflag:$0x1] =	stream.indirect_vreg.gather [hbm4b:s5+s3], $0x80, v4, vm0, $0xb8;
	[tilespmem:$0x18400] =	vst v63  }
0x28a: {  	s13 =	simm.s32 $0x3400  }
0x28b: {  	[tilespmem:s13], [sflag:$0x1] =	stream.indirect_vreg.gather [hbm4b:s2+s3], $0x80, v3, vm0, $0xb8;
	[tilespmem:$0x18400] =	vst v63  }
0x28c: {  	s20 =	simm.s32 $0x3C00  }
0x28d: {  	[tilespmem:s20], [sflag:$0x1] =	stream.indirect_vreg.gather [hbm4b:s5+s3], $0x80, v3, vm0, $0xb8;
	[tilespmem:$0x18400] =	vst v63  }
0x28e: {  	v3 =	vld [tilespmem:$0x260];
	_ =	sdelay $0x4  }
0x28f: {  	v38 =	vshll.u32 v3, $0x2  }
0x290: {  	v3 =	vand.u32 $0x7, v3;
	v4 =	vand.u32 $0xFFFFFFE0, v38  }
0x291: {  	v3 =	vor.u32 v3, v4  }
0x292: {  	v4 =	vperm.xlane v3, v0;
	_ =	sdelay $0x1  }
0x293: {  	v4 =	vadd.s32 v1, v4;
	_ =	sdelay $0x1  }
0x294: {  	v3 =	vperm.xlane v3, v2;
	_ =	sdelay $0x1  }
0x295: {  	s14 =	simm.s32 $0x4400;
	v3 =	vadd.s32 v1, v3  }
0x296: {  	[tilespmem:s14], [sflag:$0x1] =	stream.indirect_vreg.gather [hbm4b:s2+s3], $0x80, v4, vm0, $0xb8;
	[tilespmem:$0x18400] =	vst v63  }
0x297: {  	s15 =	simm.s32 $0x4C00  }
0x298: {  	[tilespmem:s15], [sflag:$0x1] =	stream.indirect_vreg.gather [hbm4b:s5+s3], $0x80, v4, vm0, $0xb8;
	[tilespmem:$0x18400] =	vst v63  }
0x299: {  	s16 =	simm.s32 $0x5400  }
0x29a: {  	[tilespmem:s16], [sflag:$0x1] =	stream.indirect_vreg.gather [hbm4b:s2+s3], $0x80, v3, vm0, $0xb8;
	[tilespmem:$0x18400] =	vst v63  }
0x29b: {  	s21 =	simm.s32 $0x5C00  }
0x29c: {  	[tilespmem:s21], [sflag:$0x1] =	stream.indirect_vreg.gather [hbm4b:s5+s3], $0x80, v3, vm0, $0xb8;
	[tilespmem:$0x18400] =	vst v63  }
0x29d: {  	v3 =	vld [tilespmem:$0x270];
	_ =	sdelay $0x4  }
0x29e: {  	v39 =	vshll.u32 v3, $0x2  }
0x29f: {  	v3 =	vand.u32 $0x7, v3;
	v4 =	vand.u32 $0xFFFFFFE0, v39  }
0x2a0: {  	v3 =	vor.u32 v3, v4  }
0x2a1: {  	v4 =	vperm.xlane v3, v0;
	_ =	sdelay $0x1  }
0x2a2: {  	v4 =	vadd.s32 v1, v4;
	_ =	sdelay $0x1  }
0x2a3: {  	v3 =	vperm.xlane v3, v2;
	_ =	sdelay $0x1  }
0x2a4: {  	s17 =	simm.s32 $0x6400;
	v3 =	vadd.s32 v1, v3  }
0x2a5: {  	[tilespmem:s17], [sflag:$0x1] =	stream.indirect_vreg.gather [hbm4b:s2+s3], $0x80, v4, vm0, $0xb8;
	[tilespmem:$0x18400] =	vst v63  }
0x2a6: {  	s18 =	simm.s32 $0x6C00  }
0x2a7: {  	[tilespmem:s18], [sflag:$0x1] =	stream.indirect_vreg.gather [hbm4b:s5+s3], $0x80, v4, vm0, $0xb8;
	[tilespmem:$0x18400] =	vst v63  }
0x2a8: {  	s19 =	simm.s32 $0x7400  }
0x2a9: {  	[tilespmem:s19], [sflag:$0x1] =	stream.indirect_vreg.gather [hbm4b:s2+s3], $0x80, v3, vm0, $0xb8;
	[tilespmem:$0x18400] =	vst v63  }
0x2aa: {  	s22 =	simm.s32 $0x7C00  }
0x2ab: {  	[tilespmem:s22], [sflag:$0x1] =	stream.indirect_vreg.gather [hbm4b:s5+s3], $0x80, v3, vm0, $0xb8;
	[tilespmem:$0x18400] =	vst v63  }
0x2ac: {  	_ =	swait.ge [sflag:s30], $0x8000  }
0x2ad: {  	[sflag:s30] =	ssyncset.done $0x0  }
0x2ae: {  	s22 =	rddreg [dreg:$0xb];
	[sflag:s30] =	ssyncadd.s32 $0xFFFF8000  }
0x2af: {  	[hbm4b:s22+s3] =	stream.linear.scatter [tilespmem:s31], [sflag:$0x5], $0x8000, $0x38;
	[tilespmem:$0x18400] =	vst v63  }
0x2b0: {  	_ =	swait.ge [sflag:s0], $0x8000  }
0x2b1: {  	[sflag:s0] =	ssyncset.done $0x0  }
0x2b2: {  	[sflag:s0] =	ssyncadd.s32 $0xFFFF8000  }
0x2b3: {  	v3 =	vld [tilespmem:$0x280];
	_ =	sdelay $0x4  }
0x2b4: {  	v40 =	vshll.u32 v3, $0x2  }
0x2b5: {  	v3 =	vand.u32 $0x7, v3;
	v4 =	vand.u32 $0xFFFFFFE0, v40  }
0x2b6: {  	v3 =	vor.u32 v3, v4  }
0x2b7: {  	v4 =	vperm.xlane v3, v0;
	_ =	sdelay $0x1  }
0x2b8: {  	v4 =	vadd.s32 v1, v4;
	_ =	sdelay $0x1  }
0x2b9: {  	v3 =	vperm.xlane v3, v2;
	_ =	sdelay $0x1  }
0x2ba: {  	v3 =	vadd.s32 v1, v3  }
0x2bb: {  	[tilespmem:s31], [sflag:$0x2] =	stream.indirect_vreg.gather [hbm4b:s2+s3], $0x80, v4, vm0, $0xb8;
	[tilespmem:$0x18400] =	vst v63  }
0x2bc: {  	s21 =	simm.s32 $0x8C00  }
0x2bd: {  	[tilespmem:s21], [sflag:$0x2] =	stream.indirect_vreg.gather [hbm4b:s5+s3], $0x80, v4, vm0, $0xb8;
	[tilespmem:$0x18400] =	vst v63  }
0x2be: {  	s22 =	simm.s32 $0x9400  }
0x2bf: {  	[tilespmem:s22], [sflag:$0x2] =	stream.indirect_vreg.gather [hbm4b:s2+s3], $0x80, v3, vm0, $0xb8;
	[tilespmem:$0x18400] =	vst v63  }
0x2c0: {  	s21 =	simm.s32 $0x9C00  }
0x2c1: {  	[tilespmem:s21], [sflag:$0x2] =	stream.indirect_vreg.gather [hbm4b:s5+s3], $0x80, v3, vm0, $0xb8;
	[tilespmem:$0x18400] =	vst v63  }
0x2c2: {  	v3 =	vld [tilespmem:$0x290];
	_ =	sdelay $0x4  }
0x2c3: {  	v41 =	vshll.u32 v3, $0x2  }
0x2c4: {  	v3 =	vand.u32 $0x7, v3;
	v4 =	vand.u32 $0xFFFFFFE0, v41  }
0x2c5: {  	v3 =	vor.u32 v3, v4  }
0x2c6: {  	v4 =	vperm.xlane v3, v0;
	_ =	sdelay $0x1  }
0x2c7: {  	v4 =	vadd.s32 v1, v4;
	_ =	sdelay $0x1  }
0x2c8: {  	v3 =	vperm.xlane v3, v2;
	_ =	sdelay $0x1  }
0x2c9: {  	s22 =	simm.s32 $0xA400;
	v3 =	vadd.s32 v1, v3  }
0x2ca: {  	[tilespmem:s22], [sflag:$0x2] =	stream.indirect_vreg.gather [hbm4b:s2+s3], $0x80, v4, vm0, $0xb8;
	[tilespmem:$0x18400] =	vst v63  }
0x2cb: {  	s21 =	simm.s32 $0xAC00  }
0x2cc: {  	[tilespmem:s21], [sflag:$0x2] =	stream.indirect_vreg.gather [hbm4b:s5+s3], $0x80, v4, vm0, $0xb8;
	[tilespmem:$0x18400] =	vst v63  }
0x2cd: {  	s22 =	simm.s32 $0xB400  }
0x2ce: {  	[tilespmem:s22], [sflag:$0x2] =	stream.indirect_vreg.gather [hbm4b:s2+s3], $0x80, v3, vm0, $0xb8;
	[tilespmem:$0x18400] =	vst v63  }
0x2cf: {  	s21 =	simm.s32 $0xBC00  }
0x2d0: {  	[tilespmem:s21], [sflag:$0x2] =	stream.indirect_vreg.gather [hbm4b:s5+s3], $0x80, v3, vm0, $0xb8;
	[tilespmem:$0x18400] =	vst v63  }
0x2d1: {  	v3 =	vld [tilespmem:$0x2A0];
	_ =	sdelay $0x4  }
0x2d2: {  	v42 =	vshll.u32 v3, $0x2  }
0x2d3: {  	v3 =	vand.u32 $0x7, v3;
	v4 =	vand.u32 $0xFFFFFFE0, v42  }
0x2d4: {  	v3 =	vor.u32 v3, v4  }
0x2d5: {  	v4 =	vperm.xlane v3, v0;
	_ =	sdelay $0x1  }
0x2d6: {  	v4 =	vadd.s32 v1, v4;
	_ =	sdelay $0x1  }
0x2d7: {  	v3 =	vperm.xlane v3, v2;
	_ =	sdelay $0x1  }
0x2d8: {  	s22 =	simm.s32 $0xC400;
	v3 =	vadd.s32 v1, v3  }
0x2d9: {  	[tilespmem:s22], [sflag:$0x2] =	stream.indirect_vreg.gather [hbm4b:s2+s3], $0x80, v4, vm0, $0xb8;
	[tilespmem:$0x18400] =	vst v63  }
0x2da: {  	s21 =	simm.s32 $0xCC00  }
0x2db: {  	[tilespmem:s21], [sflag:$0x2] =	stream.indirect_vreg.gather [hbm4b:s5+s3], $0x80, v4, vm0, $0xb8;
	[tilespmem:$0x18400] =	vst v63  }
0x2dc: {  	s22 =	simm.s32 $0xD400  }
0x2dd: {  	[tilespmem:s22], [sflag:$0x2] =	stream.indirect_vreg.gather [hbm4b:s2+s3], $0x80, v3, vm0, $0xb8;
	[tilespmem:$0x18400] =	vst v63  }
0x2de: {  	s21 =	simm.s32 $0xDC00  }
0x2df: {  	[tilespmem:s21], [sflag:$0x2] =	stream.indirect_vreg.gather [hbm4b:s5+s3], $0x80, v3, vm0, $0xb8;
	[tilespmem:$0x18400] =	vst v63  }
0x2e0: {  	v3 =	vld [tilespmem:$0x2B0];
	_ =	sdelay $0x4  }
0x2e1: {  	v43 =	vshll.u32 v3, $0x2  }
0x2e2: {  	v3 =	vand.u32 $0x7, v3;
	v4 =	vand.u32 $0xFFFFFFE0, v43  }
0x2e3: {  	v3 =	vor.u32 v3, v4  }
0x2e4: {  	v4 =	vperm.xlane v3, v0;
	_ =	sdelay $0x1  }
0x2e5: {  	v4 =	vadd.s32 v1, v4;
	_ =	sdelay $0x1  }
0x2e6: {  	v3 =	vperm.xlane v3, v2;
	_ =	sdelay $0x1  }
0x2e7: {  	s22 =	simm.s32 $0xE400;
	v3 =	vadd.s32 v1, v3  }
0x2e8: {  	[tilespmem:s22], [sflag:$0x2] =	stream.indirect_vreg.gather [hbm4b:s2+s3], $0x80, v4, vm0, $0xb8;
	[tilespmem:$0x18400] =	vst v63  }
0x2e9: {  	s21 =	simm.s32 $0xEC00  }
0x2ea: {  	[tilespmem:s21], [sflag:$0x2] =	stream.indirect_vreg.gather [hbm4b:s5+s3], $0x80, v4, vm0, $0xb8;
	[tilespmem:$0x18400] =	vst v63  }
0x2eb: {  	s22 =	simm.s32 $0xF400  }
0x2ec: {  	[tilespmem:s22], [sflag:$0x2] =	stream.indirect_vreg.gather [hbm4b:s2+s3], $0x80, v3, vm0, $0xb8;
	[tilespmem:$0x18400] =	vst v63  }
0x2ed: {  	s21 =	simm.s32 $0xFC00  }
0x2ee: {  	[tilespmem:s21], [sflag:$0x2] =	stream.indirect_vreg.gather [hbm4b:s5+s3], $0x80, v3, vm0, $0xb8;
	[tilespmem:$0x18400] =	vst v63  }
0x2ef: {  	_ =	swait.ge [sflag:s1], $0x8000  }
0x2f0: {  	[sflag:s1] =	ssyncset.done $0x0  }
0x2f1: {  	s22 =	rddreg [dreg:$0xc];
	[sflag:s1] =	ssyncadd.s32 $0xFFFF8000  }
0x2f2: {  	[hbm4b:s22+s3] =	stream.linear.scatter [tilespmem:s8], [sflag:$0x6], $0x8000, $0x38;
	[tilespmem:$0x18400] =	vst v63  }
0x2f3: {  	_ =	swait.ge [sflag:s4], $0x8000  }
0x2f4: {  	[sflag:s4] =	ssyncset.done $0x0  }
0x2f5: {  	[sflag:s4] =	ssyncadd.s32 $0xFFFF8000  }
0x2f6: {  	v3 =	vld [tilespmem:$0x2C0];
	_ =	sdelay $0x4  }
0x2f7: {  	v44 =	vshll.u32 v3, $0x2  }
0x2f8: {  	v3 =	vand.u32 $0x7, v3;
	v4 =	vand.u32 $0xFFFFFFE0, v44  }
0x2f9: {  	v3 =	vor.u32 v3, v4  }
0x2fa: {  	v4 =	vperm.xlane v3, v0;
	_ =	sdelay $0x1  }
0x2fb: {  	v4 =	vadd.s32 v1, v4;
	_ =	sdelay $0x1  }
0x2fc: {  	v3 =	vperm.xlane v3, v2;
	_ =	sdelay $0x1  }
0x2fd: {  	v3 =	vadd.s32 v1, v3  }
0x2fe: {  	[tilespmem:s8], [sflag:$0x3] =	stream.indirect_vreg.gather [hbm4b:s2+s3], $0x80, v4, vm0, $0xb8;
	[tilespmem:$0x18400] =	vst v63  }
0x2ff: {  	s25 =	simm.s32 $0x10C00  }
0x300: {  	[tilespmem:s25], [sflag:$0x3] =	stream.indirect_vreg.gather [hbm4b:s5+s3], $0x80, v4, vm0, $0xb8;
	[tilespmem:$0x18400] =	vst v63  }
0x301: {  	s25 =	simm.s32 $0x11400  }
0x302: {  	[tilespmem:s25], [sflag:$0x3] =	stream.indirect_vreg.gather [hbm4b:s2+s3], $0x80, v3, vm0, $0xb8;
	[tilespmem:$0x18400] =	vst v63  }
0x303: {  	s22 =	simm.s32 $0x11C00  }
0x304: {  	[tilespmem:s22], [sflag:$0x3] =	stream.indirect_vreg.gather [hbm4b:s5+s3], $0x80, v3, vm0, $0xb8;
	[tilespmem:$0x18400] =	vst v63  }
0x305: {  	v3 =	vld [tilespmem:$0x2D0];
	_ =	sdelay $0x4  }
0x306: {  	v45 =	vshll.u32 v3, $0x2  }
0x307: {  	v3 =	vand.u32 $0x7, v3;
	v4 =	vand.u32 $0xFFFFFFE0, v45  }
0x308: {  	v3 =	vor.u32 v3, v4  }
0x309: {  	v4 =	vperm.xlane v3, v0;
	_ =	sdelay $0x1  }
0x30a: {  	v4 =	vadd.s32 v1, v4;
	_ =	sdelay $0x1  }
0x30b: {  	v3 =	vperm.xlane v3, v2;
	_ =	sdelay $0x1  }
0x30c: {  	s25 =	simm.s32 $0x12400;
	v3 =	vadd.s32 v1, v3  }
0x30d: {  	[tilespmem:s25], [sflag:$0x3] =	stream.indirect_vreg.gather [hbm4b:s2+s3], $0x80, v4, vm0, $0xb8;
	[tilespmem:$0x18400] =	vst v63  }
0x30e: {  	s22 =	simm.s32 $0x12C00  }
0x30f: {  	[tilespmem:s22], [sflag:$0x3] =	stream.indirect_vreg.gather [hbm4b:s5+s3], $0x80, v4, vm0, $0xb8;
	[tilespmem:$0x18400] =	vst v63  }
0x310: {  	s25 =	simm.s32 $0x13400  }
0x311: {  	[tilespmem:s25], [sflag:$0x3] =	stream.indirect_vreg.gather [hbm4b:s2+s3], $0x80, v3, vm0, $0xb8;
	[tilespmem:$0x18400] =	vst v63  }
0x312: {  	s22 =	simm.s32 $0x13C00  }
0x313: {  	[tilespmem:s22], [sflag:$0x3] =	stream.indirect_vreg.gather [hbm4b:s5+s3], $0x80, v3, vm0, $0xb8;
	[tilespmem:$0x18400] =	vst v63  }
0x314: {  	v3 =	vld [tilespmem:$0x2E0];
	_ =	sdelay $0x4  }
0x315: {  	v46 =	vshll.u32 v3, $0x2  }
0x316: {  	v3 =	vand.u32 $0x7, v3;
	v4 =	vand.u32 $0xFFFFFFE0, v46  }
0x317: {  	v3 =	vor.u32 v3, v4  }
0x318: {  	v4 =	vperm.xlane v3, v0;
	_ =	sdelay $0x1  }
0x319: {  	v4 =	vadd.s32 v1, v4;
	_ =	sdelay $0x1  }
0x31a: {  	v3 =	vperm.xlane v3, v2;
	_ =	sdelay $0x1  }
0x31b: {  	s25 =	simm.s32 $0x14400;
	v3 =	vadd.s32 v1, v3  }
0x31c: {  	[tilespmem:s25], [sflag:$0x3] =	stream.indirect_vreg.gather [hbm4b:s2+s3], $0x80, v4, vm0, $0xb8;
	[tilespmem:$0x18400] =	vst v63  }
0x31d: {  	s22 =	simm.s32 $0x14C00  }
0x31e: {  	[tilespmem:s22], [sflag:$0x3] =	stream.indirect_vreg.gather [hbm4b:s5+s3], $0x80, v4, vm0, $0xb8;
	[tilespmem:$0x18400] =	vst v63  }
0x31f: {  	s25 =	simm.s32 $0x15400  }
0x320: {  	[tilespmem:s25], [sflag:$0x3] =	stream.indirect_vreg.gather [hbm4b:s2+s3], $0x80, v3, vm0, $0xb8;
	[tilespmem:$0x18400] =	vst v63  }
0x321: {  	s22 =	simm.s32 $0x15C00  }
0x322: {  	[tilespmem:s22], [sflag:$0x3] =	stream.indirect_vreg.gather [hbm4b:s5+s3], $0x80, v3, vm0, $0xb8;
	[tilespmem:$0x18400] =	vst v63  }
0x323: {  	v3 =	vld [tilespmem:$0x2F0];
	_ =	sdelay $0x4  }
0x324: {  	v47 =	vshll.u32 v3, $0x2  }
0x325: {  	v3 =	vand.u32 $0x7, v3;
	v4 =	vand.u32 $0xFFFFFFE0, v47  }
0x326: {  	v3 =	vor.u32 v3, v4  }
0x327: {  	v4 =	vperm.xlane v3, v0;
	_ =	sdelay $0x1  }
0x328: {  	v4 =	vadd.s32 v1, v4;
	_ =	sdelay $0x1  }
0x329: {  	v3 =	vperm.xlane v3, v2;
	_ =	sdelay $0x1  }
0x32a: {  	s25 =	simm.s32 $0x16400;
	v3 =	vadd.s32 v1, v3  }
0x32b: {  	[tilespmem:s25], [sflag:$0x3] =	stream.indirect_vreg.gather [hbm4b:s2+s3], $0x80, v4, vm0, $0xb8;
	[tilespmem:$0x18400] =	vst v63  }
0x32c: {  	s22 =	simm.s32 $0x16C00  }
0x32d: {  	[tilespmem:s22], [sflag:$0x3] =	stream.indirect_vreg.gather [hbm4b:s5+s3], $0x80, v4, vm0, $0xb8;
	[tilespmem:$0x18400] =	vst v63  }
0x32e: {  	s25 =	simm.s32 $0x17400  }
0x32f: {  	[tilespmem:s25], [sflag:$0x3] =	stream.indirect_vreg.gather [hbm4b:s2+s3], $0x80, v3, vm0, $0xb8;
	[tilespmem:$0x18400] =	vst v63  }
0x330: {  	s22 =	simm.s32 $0x17C00  }
0x331: {  	[tilespmem:s22], [sflag:$0x3] =	stream.indirect_vreg.gather [hbm4b:s5+s3], $0x80, v3, vm0, $0xb8;
	[tilespmem:$0x18400] =	vst v63  }
0x332: {  	_ =	swait.ge [sflag:s28], $0x8000  }
0x333: {  	[sflag:s28] =	ssyncset.done $0x0  }
0x334: {  	s25 =	rddreg [dreg:$0xd];
	[sflag:s28] =	ssyncadd.s32 $0xFFFF8000  }
0x335: {  	[hbm4b:s25+s3] =	stream.linear.scatter [tilespmem:s23], [sflag:$0x4], $0x8000, $0x38;
	[tilespmem:$0x18400] =	vst v63  }
0x336: {  	_ =	swait.ge [sflag:s29], $0x8000  }
0x337: {  	[sflag:s29] =	ssyncset.done $0x0  }
0x338: {  	[sflag:s29] =	ssyncadd.s32 $0xFFFF8000  }
0x339: {  	v3 =	vld [tilespmem:$0x300];
	_ =	sdelay $0x4  }
0x33a: {  	v48 =	vshll.u32 v3, $0x2  }
0x33b: {  	v3 =	vand.u32 $0x7, v3;
	v4 =	vand.u32 $0xFFFFFFE0, v48  }
0x33c: {  	v3 =	vor.u32 v3, v4  }
0x33d: {  	v4 =	vperm.xlane v3, v0;
	_ =	sdelay $0x1  }
0x33e: {  	v4 =	vadd.s32 v1, v4;
	_ =	sdelay $0x1  }
0x33f: {  	v3 =	vperm.xlane v3, v2;
	_ =	sdelay $0x1  }
0x340: {  	v3 =	vadd.s32 v1, v3  }
0x341: {  	[tilespmem:s23], [sflag:$0x1] =	stream.indirect_vreg.gather [hbm4b:s2+s3], $0x80, v4, vm0, $0xb8;
	[tilespmem:$0x18400] =	vst v63  }
0x342: {  	s9 =	simm.s32 $0xC00  }
0x343: {  	[tilespmem:s9], [sflag:$0x1] =	stream.indirect_vreg.gather [hbm4b:s5+s3], $0x80, v4, vm0, $0xb8;
	[tilespmem:$0x18400] =	vst v63  }
0x344: {  	s10 =	simm.s32 $0x1400  }
0x345: {  	[tilespmem:s10], [sflag:$0x1] =	stream.indirect_vreg.gather [hbm4b:s2+s3], $0x80, v3, vm0, $0xb8;
	[tilespmem:$0x18400] =	vst v63  }
0x346: {  	s10 =	simm.s32 $0x1C00  }
0x347: {  	[tilespmem:s10], [sflag:$0x1] =	stream.indirect_vreg.gather [hbm4b:s5+s3], $0x80, v3, vm0, $0xb8;
	[tilespmem:$0x18400] =	vst v63  }
0x348: {  	v3 =	vld [tilespmem:$0x310];
	_ =	sdelay $0x4  }
0x349: {  	v49 =	vshll.u32 v3, $0x2  }
0x34a: {  	v3 =	vand.u32 $0x7, v3;
	v4 =	vand.u32 $0xFFFFFFE0, v49  }
0x34b: {  	v3 =	vor.u32 v3, v4  }
0x34c: {  	v4 =	vperm.xlane v3, v0;
	_ =	sdelay $0x1  }
0x34d: {  	v4 =	vadd.s32 v1, v4;
	_ =	sdelay $0x1  }
0x34e: {  	v3 =	vperm.xlane v3, v2;
	_ =	sdelay $0x1  }
0x34f: {  	s11 =	simm.s32 $0x2400;
	v3 =	vadd.s32 v1, v3  }
0x350: {  	[tilespmem:s11], [sflag:$0x1] =	stream.indirect_vreg.gather [hbm4b:s2+s3], $0x80, v4, vm0, $0xb8;
	[tilespmem:$0x18400] =	vst v63  }
0x351: {  	s12 =	simm.s32 $0x2C00  }
0x352: {  	[tilespmem:s12], [sflag:$0x1] =	stream.indirect_vreg.gather [hbm4b:s5+s3], $0x80, v4, vm0, $0xb8;
	[tilespmem:$0x18400] =	vst v63  }
0x353: {  	s13 =	simm.s32 $0x3400  }
0x354: {  	[tilespmem:s13], [sflag:$0x1] =	stream.indirect_vreg.gather [hbm4b:s2+s3], $0x80, v3, vm0, $0xb8;
	[tilespmem:$0x18400] =	vst v63  }
0x355: {  	s26 =	simm.s32 $0x3C00  }
0x356: {  	[tilespmem:s26], [sflag:$0x1] =	stream.indirect_vreg.gather [hbm4b:s5+s3], $0x80, v3, vm0, $0xb8;
	[tilespmem:$0x18400] =	vst v63  }
0x357: {  	v3 =	vld [tilespmem:$0x320];
	_ =	sdelay $0x4  }
0x358: {  	v50 =	vshll.u32 v3, $0x2  }
0x359: {  	v3 =	vand.u32 $0x7, v3;
	v4 =	vand.u32 $0xFFFFFFE0, v50  }
0x35a: {  	v3 =	vor.u32 v3, v4  }
0x35b: {  	v4 =	vperm.xlane v3, v0;
	_ =	sdelay $0x1  }
0x35c: {  	v4 =	vadd.s32 v1, v4;
	_ =	sdelay $0x1  }
0x35d: {  	v3 =	vperm.xlane v3, v2;
	_ =	sdelay $0x1  }
0x35e: {  	s14 =	simm.s32 $0x4400;
	v3 =	vadd.s32 v1, v3  }
0x35f: {  	[tilespmem:s14], [sflag:$0x1] =	stream.indirect_vreg.gather [hbm4b:s2+s3], $0x80, v4, vm0, $0xb8;
	[tilespmem:$0x18400] =	vst v63  }
0x360: {  	s15 =	simm.s32 $0x4C00  }
0x361: {  	[tilespmem:s15], [sflag:$0x1] =	stream.indirect_vreg.gather [hbm4b:s5+s3], $0x80, v4, vm0, $0xb8;
	[tilespmem:$0x18400] =	vst v63  }
0x362: {  	s16 =	simm.s32 $0x5400  }
0x363: {  	[tilespmem:s16], [sflag:$0x1] =	stream.indirect_vreg.gather [hbm4b:s2+s3], $0x80, v3, vm0, $0xb8;
	[tilespmem:$0x18400] =	vst v63  }
0x364: {  	s24 =	simm.s32 $0x5C00  }
0x365: {  	[tilespmem:s24], [sflag:$0x1] =	stream.indirect_vreg.gather [hbm4b:s5+s3], $0x80, v3, vm0, $0xb8;
	[tilespmem:$0x18400] =	vst v63  }
0x366: {  	v3 =	vld [tilespmem:$0x330];
	_ =	sdelay $0x4  }
0x367: {  	v51 =	vshll.u32 v3, $0x2  }
0x368: {  	v3 =	vand.u32 $0x7, v3;
	v4 =	vand.u32 $0xFFFFFFE0, v51  }
0x369: {  	v3 =	vor.u32 v3, v4  }
0x36a: {  	v4 =	vperm.xlane v3, v0;
	_ =	sdelay $0x1  }
0x36b: {  	v4 =	vadd.s32 v1, v4;
	_ =	sdelay $0x1  }
0x36c: {  	v3 =	vperm.xlane v3, v2;
	_ =	sdelay $0x1  }
0x36d: {  	s17 =	simm.s32 $0x6400;
	v3 =	vadd.s32 v1, v3  }
0x36e: {  	[tilespmem:s17], [sflag:$0x1] =	stream.indirect_vreg.gather [hbm4b:s2+s3], $0x80, v4, vm0, $0xb8;
	[tilespmem:$0x18400] =	vst v63  }
0x36f: {  	s18 =	simm.s32 $0x6C00  }
0x370: {  	[tilespmem:s18], [sflag:$0x1] =	stream.indirect_vreg.gather [hbm4b:s5+s3], $0x80, v4, vm0, $0xb8;
	[tilespmem:$0x18400] =	vst v63  }
0x371: {  	s19 =	simm.s32 $0x7400  }
0x372: {  	[tilespmem:s19], [sflag:$0x1] =	stream.indirect_vreg.gather [hbm4b:s2+s3], $0x80, v3, vm0, $0xb8;
	[tilespmem:$0x18400] =	vst v63  }
0x373: {  	s20 =	simm.s32 $0x7C00  }
0x374: {  	[tilespmem:s20], [sflag:$0x1] =	stream.indirect_vreg.gather [hbm4b:s5+s3], $0x80, v3, vm0, $0xb8;
	[tilespmem:$0x18400] =	vst v63  }
0x375: {  	_ =	swait.ge [sflag:s30], $0x8000  }
0x376: {  	[sflag:s30] =	ssyncset.done $0x0  }
0x377: {  	s20 =	rddreg [dreg:$0xe];
	[sflag:s30] =	ssyncadd.s32 $0xFFFF8000  }
0x378: {  	[hbm4b:s20+s3] =	stream.linear.scatter [tilespmem:s31], [sflag:$0x5], $0x8000, $0x38;
	[tilespmem:$0x18400] =	vst v63  }
0x379: {  	_ =	swait.ge [sflag:s0], $0x8000  }
0x37a: {  	[sflag:s0] =	ssyncset.done $0x0  }
0x37b: {  	[sflag:s0] =	ssyncadd.s32 $0xFFFF8000  }
0x37c: {  	v3 =	vld [tilespmem:$0x340];
	_ =	sdelay $0x4  }
0x37d: {  	v52 =	vshll.u32 v3, $0x2  }
0x37e: {  	v3 =	vand.u32 $0x7, v3;
	v4 =	vand.u32 $0xFFFFFFE0, v52  }
0x37f: {  	v3 =	vor.u32 v3, v4  }
0x380: {  	v4 =	vperm.xlane v3, v0;
	_ =	sdelay $0x1  }
0x381: {  	v4 =	vadd.s32 v1, v4;
	_ =	sdelay $0x1  }
0x382: {  	v3 =	vperm.xlane v3, v2;
	_ =	sdelay $0x1  }
0x383: {  	v3 =	vadd.s32 v1, v3  }
0x384: {  	[tilespmem:s31], [sflag:$0x2] =	stream.indirect_vreg.gather [hbm4b:s2+s3], $0x80, v4, vm0, $0xb8;
	[tilespmem:$0x18400] =	vst v63  }
0x385: {  	s24 =	simm.s32 $0x8C00  }
0x386: {  	[tilespmem:s24], [sflag:$0x2] =	stream.indirect_vreg.gather [hbm4b:s5+s3], $0x80, v4, vm0, $0xb8;
	[tilespmem:$0x18400] =	vst v63  }
0x387: {  	s20 =	simm.s32 $0x9400  }
0x388: {  	[tilespmem:s20], [sflag:$0x2] =	stream.indirect_vreg.gather [hbm4b:s2+s3], $0x80, v3, vm0, $0xb8;
	[tilespmem:$0x18400] =	vst v63  }
0x389: {  	s24 =	simm.s32 $0x9C00  }
0x38a: {  	[tilespmem:s24], [sflag:$0x2] =	stream.indirect_vreg.gather [hbm4b:s5+s3], $0x80, v3, vm0, $0xb8;
	[tilespmem:$0x18400] =	vst v63  }
0x38b: {  	v3 =	vld [tilespmem:$0x350];
	_ =	sdelay $0x4  }
0x38c: {  	v53 =	vshll.u32 v3, $0x2  }
0x38d: {  	v3 =	vand.u32 $0x7, v3;
	v4 =	vand.u32 $0xFFFFFFE0, v53  }
0x38e: {  	v3 =	vor.u32 v3, v4  }
0x38f: {  	v4 =	vperm.xlane v3, v0;
	_ =	sdelay $0x1  }
0x390: {  	v4 =	vadd.s32 v1, v4;
	_ =	sdelay $0x1  }
0x391: {  	v3 =	vperm.xlane v3, v2;
	_ =	sdelay $0x1  }
0x392: {  	s20 =	simm.s32 $0xA400;
	v3 =	vadd.s32 v1, v3  }
0x393: {  	[tilespmem:s20], [sflag:$0x2] =	stream.indirect_vreg.gather [hbm4b:s2+s3], $0x80, v4, vm0, $0xb8;
	[tilespmem:$0x18400] =	vst v63  }
0x394: {  	s24 =	simm.s32 $0xAC00  }
0x395: {  	[tilespmem:s24], [sflag:$0x2] =	stream.indirect_vreg.gather [hbm4b:s5+s3], $0x80, v4, vm0, $0xb8;
	[tilespmem:$0x18400] =	vst v63  }
0x396: {  	s20 =	simm.s32 $0xB400  }
0x397: {  	[tilespmem:s20], [sflag:$0x2] =	stream.indirect_vreg.gather [hbm4b:s2+s3], $0x80, v3, vm0, $0xb8;
	[tilespmem:$0x18400] =	vst v63  }
0x398: {  	s24 =	simm.s32 $0xBC00  }
0x399: {  	[tilespmem:s24], [sflag:$0x2] =	stream.indirect_vreg.gather [hbm4b:s5+s3], $0x80, v3, vm0, $0xb8;
	[tilespmem:$0x18400] =	vst v63  }
0x39a: {  	v3 =	vld [tilespmem:$0x360];
	_ =	sdelay $0x4  }
0x39b: {  	v54 =	vshll.u32 v3, $0x2  }
0x39c: {  	v3 =	vand.u32 $0x7, v3;
	v4 =	vand.u32 $0xFFFFFFE0, v54  }
0x39d: {  	v3 =	vor.u32 v3, v4  }
0x39e: {  	v4 =	vperm.xlane v3, v0;
	_ =	sdelay $0x1  }
0x39f: {  	v4 =	vadd.s32 v1, v4;
	_ =	sdelay $0x1  }
0x3a0: {  	v3 =	vperm.xlane v3, v2;
	_ =	sdelay $0x1  }
0x3a1: {  	s20 =	simm.s32 $0xC400;
	v3 =	vadd.s32 v1, v3  }
0x3a2: {  	[tilespmem:s20], [sflag:$0x2] =	stream.indirect_vreg.gather [hbm4b:s2+s3], $0x80, v4, vm0, $0xb8;
	[tilespmem:$0x18400] =	vst v63  }
0x3a3: {  	s24 =	simm.s32 $0xCC00  }
0x3a4: {  	[tilespmem:s24], [sflag:$0x2] =	stream.indirect_vreg.gather [hbm4b:s5+s3], $0x80, v4, vm0, $0xb8;
	[tilespmem:$0x18400] =	vst v63  }
0x3a5: {  	s20 =	simm.s32 $0xD400  }
0x3a6: {  	[tilespmem:s20], [sflag:$0x2] =	stream.indirect_vreg.gather [hbm4b:s2+s3], $0x80, v3, vm0, $0xb8;
	[tilespmem:$0x18400] =	vst v63  }
0x3a7: {  	s24 =	simm.s32 $0xDC00  }
0x3a8: {  	[tilespmem:s24], [sflag:$0x2] =	stream.indirect_vreg.gather [hbm4b:s5+s3], $0x80, v3, vm0, $0xb8;
	[tilespmem:$0x18400] =	vst v63  }
0x3a9: {  	v3 =	vld [tilespmem:$0x370];
	_ =	sdelay $0x4  }
0x3aa: {  	v55 =	vshll.u32 v3, $0x2  }
0x3ab: {  	v3 =	vand.u32 $0x7, v3;
	v4 =	vand.u32 $0xFFFFFFE0, v55  }
0x3ac: {  	v3 =	vor.u32 v3, v4  }
0x3ad: {  	v4 =	vperm.xlane v3, v0;
	_ =	sdelay $0x1  }
0x3ae: {  	v4 =	vadd.s32 v1, v4;
	_ =	sdelay $0x1  }
0x3af: {  	v3 =	vperm.xlane v3, v2;
	_ =	sdelay $0x1  }
0x3b0: {  	s20 =	simm.s32 $0xE400;
	v3 =	vadd.s32 v1, v3  }
0x3b1: {  	[tilespmem:s20], [sflag:$0x2] =	stream.indirect_vreg.gather [hbm4b:s2+s3], $0x80, v4, vm0, $0xb8;
	[tilespmem:$0x18400] =	vst v63  }
0x3b2: {  	s24 =	simm.s32 $0xEC00  }
0x3b3: {  	[tilespmem:s24], [sflag:$0x2] =	stream.indirect_vreg.gather [hbm4b:s5+s3], $0x80, v4, vm0, $0xb8;
	[tilespmem:$0x18400] =	vst v63  }
0x3b4: {  	s20 =	simm.s32 $0xF400  }
0x3b5: {  	[tilespmem:s20], [sflag:$0x2] =	stream.indirect_vreg.gather [hbm4b:s2+s3], $0x80, v3, vm0, $0xb8;
	[tilespmem:$0x18400] =	vst v63  }
0x3b6: {  	s24 =	simm.s32 $0xFC00  }
0x3b7: {  	[tilespmem:s24], [sflag:$0x2] =	stream.indirect_vreg.gather [hbm4b:s5+s3], $0x80, v3, vm0, $0xb8;
	[tilespmem:$0x18400] =	vst v63  }
0x3b8: {  	_ =	swait.ge [sflag:s1], $0x8000  }
0x3b9: {  	[sflag:s1] =	ssyncset.done $0x0  }
0x3ba: {  	s20 =	rddreg [dreg:$0xf];
	[sflag:s1] =	ssyncadd.s32 $0xFFFF8000  }
0x3bb: {  	[hbm4b:s20+s3] =	stream.linear.scatter [tilespmem:s8], [sflag:$0x6], $0x8000, $0x38;
	[tilespmem:$0x18400] =	vst v63  }
0x3bc: {  	_ =	swait.ge [sflag:s4], $0x8000  }
0x3bd: {  	[sflag:s4] =	ssyncset.done $0x0  }
0x3be: {  	[sflag:s4] =	ssyncadd.s32 $0xFFFF8000  }
0x3bf: {  	v3 =	vld [tilespmem:$0x380];
	_ =	sdelay $0x4  }
0x3c0: {  	v56 =	vshll.u32 v3, $0x2  }
0x3c1: {  	v3 =	vand.u32 $0x7, v3;
	v4 =	vand.u32 $0xFFFFFFE0, v56  }
0x3c2: {  	v3 =	vor.u32 v3, v4  }
0x3c3: {  	v4 =	vperm.xlane v3, v0;
	_ =	sdelay $0x1  }
0x3c4: {  	v4 =	vadd.s32 v1, v4;
	_ =	sdelay $0x1  }
0x3c5: {  	v3 =	vperm.xlane v3, v2;
	_ =	sdelay $0x1  }
0x3c6: {  	v3 =	vadd.s32 v1, v3  }
0x3c7: {  	[tilespmem:s8], [sflag:$0x3] =	stream.indirect_vreg.gather [hbm4b:s2+s3], $0x80, v4, vm0, $0xb8;
	[tilespmem:$0x18400] =	vst v63  }
0x3c8: {  	s21 =	simm.s32 $0x10C00  }
0x3c9: {  	[tilespmem:s21], [sflag:$0x3] =	stream.indirect_vreg.gather [hbm4b:s5+s3], $0x80, v4, vm0, $0xb8;
	[tilespmem:$0x18400] =	vst v63  }
0x3ca: {  	s24 =	simm.s32 $0x11400  }
0x3cb: {  	[tilespmem:s24], [sflag:$0x3] =	stream.indirect_vreg.gather [hbm4b:s2+s3], $0x80, v3, vm0, $0xb8;
	[tilespmem:$0x18400] =	vst v63  }
0x3cc: {  	s20 =	simm.s32 $0x11C00  }
0x3cd: {  	[tilespmem:s20], [sflag:$0x3] =	stream.indirect_vreg.gather [hbm4b:s5+s3], $0x80, v3, vm0, $0xb8;
	[tilespmem:$0x18400] =	vst v63  }
0x3ce: {  	v3 =	vld [tilespmem:$0x390];
	_ =	sdelay $0x4  }
0x3cf: {  	v57 =	vshll.u32 v3, $0x2  }
0x3d0: {  	v3 =	vand.u32 $0x7, v3;
	v4 =	vand.u32 $0xFFFFFFE0, v57  }
0x3d1: {  	v3 =	vor.u32 v3, v4  }
0x3d2: {  	v4 =	vperm.xlane v3, v0;
	_ =	sdelay $0x1  }
0x3d3: {  	v4 =	vadd.s32 v1, v4;
	_ =	sdelay $0x1  }
0x3d4: {  	v3 =	vperm.xlane v3, v2;
	_ =	sdelay $0x1  }
0x3d5: {  	s21 =	simm.s32 $0x12400;
	v3 =	vadd.s32 v1, v3  }
0x3d6: {  	[tilespmem:s21], [sflag:$0x3] =	stream.indirect_vreg.gather [hbm4b:s2+s3], $0x80, v4, vm0, $0xb8;
	[tilespmem:$0x18400] =	vst v63  }
0x3d7: {  	s24 =	simm.s32 $0x12C00  }
0x3d8: {  	[tilespmem:s24], [sflag:$0x3] =	stream.indirect_vreg.gather [hbm4b:s5+s3], $0x80, v4, vm0, $0xb8;
	[tilespmem:$0x18400] =	vst v63  }
0x3d9: {  	s20 =	simm.s32 $0x13400  }
0x3da: {  	[tilespmem:s20], [sflag:$0x3] =	stream.indirect_vreg.gather [hbm4b:s2+s3], $0x80, v3, vm0, $0xb8;
	[tilespmem:$0x18400] =	vst v63  }
0x3db: {  	s21 =	simm.s32 $0x13C00  }
0x3dc: {  	[tilespmem:s21], [sflag:$0x3] =	stream.indirect_vreg.gather [hbm4b:s5+s3], $0x80, v3, vm0, $0xb8;
	[tilespmem:$0x18400] =	vst v63  }
0x3dd: {  	v3 =	vld [tilespmem:$0x3A0];
	_ =	sdelay $0x4  }
0x3de: {  	v58 =	vshll.u32 v3, $0x2  }
0x3df: {  	v3 =	vand.u32 $0x7, v3;
	v4 =	vand.u32 $0xFFFFFFE0, v58  }
0x3e0: {  	v3 =	vor.u32 v3, v4  }
0x3e1: {  	v4 =	vperm.xlane v3, v0;
	_ =	sdelay $0x1  }
0x3e2: {  	v4 =	vadd.s32 v1, v4;
	_ =	sdelay $0x1  }
0x3e3: {  	v3 =	vperm.xlane v3, v2;
	_ =	sdelay $0x1  }
0x3e4: {  	s24 =	simm.s32 $0x14400;
	v3 =	vadd.s32 v1, v3  }
0x3e5: {  	[tilespmem:s24], [sflag:$0x3] =	stream.indirect_vreg.gather [hbm4b:s2+s3], $0x80, v4, vm0, $0xb8;
	[tilespmem:$0x18400] =	vst v63  }
0x3e6: {  	s20 =	simm.s32 $0x14C00  }
0x3e7: {  	[tilespmem:s20], [sflag:$0x3] =	stream.indirect_vreg.gather [hbm4b:s5+s3], $0x80, v4, vm0, $0xb8;
	[tilespmem:$0x18400] =	vst v63  }
0x3e8: {  	s21 =	simm.s32 $0x15400  }
0x3e9: {  	[tilespmem:s21], [sflag:$0x3] =	stream.indirect_vreg.gather [hbm4b:s2+s3], $0x80, v3, vm0, $0xb8;
	[tilespmem:$0x18400] =	vst v63  }
0x3ea: {  	s24 =	simm.s32 $0x15C00  }
0x3eb: {  	[tilespmem:s24], [sflag:$0x3] =	stream.indirect_vreg.gather [hbm4b:s5+s3], $0x80, v3, vm0, $0xb8;
	[tilespmem:$0x18400] =	vst v63  }
0x3ec: {  	v3 =	vld [tilespmem:$0x3B0];
	_ =	sdelay $0x4  }
0x3ed: {  	v59 =	vshll.u32 v3, $0x2  }
0x3ee: {  	v3 =	vand.u32 $0x7, v3;
	v4 =	vand.u32 $0xFFFFFFE0, v59  }
0x3ef: {  	v3 =	vor.u32 v3, v4  }
0x3f0: {  	v4 =	vperm.xlane v3, v0;
	_ =	sdelay $0x1  }
0x3f1: {  	v4 =	vadd.s32 v1, v4;
	_ =	sdelay $0x1  }
0x3f2: {  	v3 =	vperm.xlane v3, v2;
	_ =	sdelay $0x1  }
0x3f3: {  	s20 =	simm.s32 $0x16400;
	v3 =	vadd.s32 v1, v3  }
0x3f4: {  	[tilespmem:s20], [sflag:$0x3] =	stream.indirect_vreg.gather [hbm4b:s2+s3], $0x80, v4, vm0, $0xb8;
	[tilespmem:$0x18400] =	vst v63  }
0x3f5: {  	s21 =	simm.s32 $0x16C00  }
0x3f6: {  	[tilespmem:s21], [sflag:$0x3] =	stream.indirect_vreg.gather [hbm4b:s5+s3], $0x80, v4, vm0, $0xb8;
	[tilespmem:$0x18400] =	vst v63  }
0x3f7: {  	s24 =	simm.s32 $0x17400  }
0x3f8: {  	[tilespmem:s24], [sflag:$0x3] =	stream.indirect_vreg.gather [hbm4b:s2+s3], $0x80, v3, vm0, $0xb8;
	[tilespmem:$0x18400] =	vst v63  }
0x3f9: {  	s20 =	simm.s32 $0x17C00  }
0x3fa: {  	[tilespmem:s20], [sflag:$0x3] =	stream.indirect_vreg.gather [hbm4b:s5+s3], $0x80, v3, vm0, $0xb8;
	[tilespmem:$0x18400] =	vst v63  }
0x3fb: {  	_ =	swait.ge [sflag:s28], $0x8000  }
0x3fc: {  	[sflag:s28] =	ssyncset.done $0x0  }
0x3fd: {  	s21 =	rddreg [dreg:$0x10];
	[sflag:s28] =	ssyncadd.s32 $0xFFFF8000  }
0x3fe: {  	[hbm4b:s21+s3] =	stream.linear.scatter [tilespmem:s23], [sflag:$0x4], $0x8000, $0x38;
	[tilespmem:$0x18400] =	vst v63  }
0x3ff: {  	_ =	swait.ge [sflag:s29], $0x8000  }
0x400: {  	[sflag:s29] =	ssyncset.done $0x0  }
0x401: {  	[sflag:s29] =	ssyncadd.s32 $0xFFFF8000  }
0x402: {  	v3 =	vld [tilespmem:$0x3C0];
	_ =	sdelay $0x4  }
0x403: {  	v60 =	vshll.u32 v3, $0x2  }
0x404: {  	v3 =	vand.u32 $0x7, v3;
	v4 =	vand.u32 $0xFFFFFFE0, v60  }
0x405: {  	v3 =	vor.u32 v3, v4  }
0x406: {  	v4 =	vperm.xlane v3, v0;
	_ =	sdelay $0x1  }
0x407: {  	v4 =	vadd.s32 v1, v4;
	_ =	sdelay $0x1  }
0x408: {  	v3 =	vperm.xlane v3, v2;
	_ =	sdelay $0x1  }
0x409: {  	v3 =	vadd.s32 v1, v3  }
0x40a: {  	[tilespmem:s23], [sflag:$0x1] =	stream.indirect_vreg.gather [hbm4b:s2+s3], $0x80, v4, vm0, $0xb8;
	[tilespmem:$0x18400] =	vst v63  }
0x40b: {  	s22 =	simm.s32 $0xC00  }
0x40c: {  	[tilespmem:s22], [sflag:$0x1] =	stream.indirect_vreg.gather [hbm4b:s5+s3], $0x80, v4, vm0, $0xb8;
	[tilespmem:$0x18400] =	vst v63  }
0x40d: {  	s9 =	simm.s32 $0x1400  }
0x40e: {  	[tilespmem:s9], [sflag:$0x1] =	stream.indirect_vreg.gather [hbm4b:s2+s3], $0x80, v3, vm0, $0xb8;
	[tilespmem:$0x18400] =	vst v63  }
0x40f: {  	s22 =	simm.s32 $0x1C00  }
0x410: {  	[tilespmem:s22], [sflag:$0x1] =	stream.indirect_vreg.gather [hbm4b:s5+s3], $0x80, v3, vm0, $0xb8;
	[tilespmem:$0x18400] =	vst v63  }
0x411: {  	v3 =	vld [tilespmem:$0x3D0];
	_ =	sdelay $0x4  }
0x412: {  	v61 =	vshll.u32 v3, $0x2  }
0x413: {  	v3 =	vand.u32 $0x7, v3;
	v4 =	vand.u32 $0xFFFFFFE0, v61  }
0x414: {  	v3 =	vor.u32 v3, v4  }
0x415: {  	v4 =	vperm.xlane v3, v0;
	_ =	sdelay $0x1  }
0x416: {  	v4 =	vadd.s32 v1, v4;
	_ =	sdelay $0x1  }
0x417: {  	v3 =	vperm.xlane v3, v2;
	_ =	sdelay $0x1  }
0x418: {  	s10 =	simm.s32 $0x2400;
	v3 =	vadd.s32 v1, v3  }
0x419: {  	[tilespmem:s10], [sflag:$0x1] =	stream.indirect_vreg.gather [hbm4b:s2+s3], $0x80, v4, vm0, $0xb8;
	[tilespmem:$0x18400] =	vst v63  }
0x41a: {  	s11 =	simm.s32 $0x2C00  }
0x41b: {  	[tilespmem:s11], [sflag:$0x1] =	stream.indirect_vreg.gather [hbm4b:s5+s3], $0x80, v4, vm0, $0xb8;
	[tilespmem:$0x18400] =	vst v63  }
0x41c: {  	s12 =	simm.s32 $0x3400  }
0x41d: {  	[tilespmem:s12], [sflag:$0x1] =	stream.indirect_vreg.gather [hbm4b:s2+s3], $0x80, v3, vm0, $0xb8;
	[tilespmem:$0x18400] =	vst v63  }
0x41e: {  	s26 =	simm.s32 $0x3C00  }
0x41f: {  	[tilespmem:s26], [sflag:$0x1] =	stream.indirect_vreg.gather [hbm4b:s5+s3], $0x80, v3, vm0, $0xb8;
	[tilespmem:$0x18400] =	vst v63  }
0x420: {  	v3 =	vld [tilespmem:$0x3E0];
	_ =	sdelay $0x4  }
0x421: {  	v62 =	vshll.u32 v3, $0x2  }
0x422: {  	v3 =	vand.u32 $0x7, v3;
	v4 =	vand.u32 $0xFFFFFFE0, v62  }
0x423: {  	v3 =	vor.u32 v3, v4  }
0x424: {  	v4 =	vperm.xlane v3, v0;
	_ =	sdelay $0x1  }
0x425: {  	v4 =	vadd.s32 v1, v4;
	_ =	sdelay $0x1  }
0x426: {  	v3 =	vperm.xlane v3, v2;
	_ =	sdelay $0x1  }
0x427: {  	s13 =	simm.s32 $0x4400;
	v3 =	vadd.s32 v1, v3  }
0x428: {  	[tilespmem:s13], [sflag:$0x1] =	stream.indirect_vreg.gather [hbm4b:s2+s3], $0x80, v4, vm0, $0xb8;
	[tilespmem:$0x18400] =	vst v63  }
0x429: {  	s14 =	simm.s32 $0x4C00  }
0x42a: {  	[tilespmem:s14], [sflag:$0x1] =	stream.indirect_vreg.gather [hbm4b:s5+s3], $0x80, v4, vm0, $0xb8;
	[tilespmem:$0x18400] =	vst v63  }
0x42b: {  	s15 =	simm.s32 $0x5400  }
0x42c: {  	[tilespmem:s15], [sflag:$0x1] =	stream.indirect_vreg.gather [hbm4b:s2+s3], $0x80, v3, vm0, $0xb8;
	[tilespmem:$0x18400] =	vst v63  }
0x42d: {  	s25 =	simm.s32 $0x5C00  }
0x42e: {  	[tilespmem:s25], [sflag:$0x1] =	stream.indirect_vreg.gather [hbm4b:s5+s3], $0x80, v3, vm0, $0xb8;
	[tilespmem:$0x18400] =	vst v63  }
0x42f: {  	v3 =	vld [tilespmem:$0x3F0];
	_ =	sdelay $0x4  }
0x430: {  	v63 =	vshll.u32 v3, $0x2  }
0x431: {  	v3 =	vand.u32 $0x7, v3;
	v4 =	vand.u32 $0xFFFFFFE0, v63  }
0x432: {  	v3 =	vor.u32 v3, v4  }
0x433: {  	v4 =	vperm.xlane v3, v0;
	_ =	sdelay $0x1  }
0x434: {  	v4 =	vadd.s32 v1, v4;
	_ =	sdelay $0x1  }
0x435: {  	v3 =	vperm.xlane v3, v2;
	_ =	sdelay $0x1  }
0x436: {  	s16 =	simm.s32 $0x6400;
	v3 =	vadd.s32 v1, v3  }
0x437: {  	[tilespmem:s16], [sflag:$0x1] =	stream.indirect_vreg.gather [hbm4b:s2+s3], $0x80, v4, vm0, $0xb8;
	[tilespmem:$0x18400] =	vst v63  }
0x438: {  	s17 =	simm.s32 $0x6C00  }
0x439: {  	[tilespmem:s17], [sflag:$0x1] =	stream.indirect_vreg.gather [hbm4b:s5+s3], $0x80, v4, vm0, $0xb8;
	[tilespmem:$0x18400] =	vst v63  }
0x43a: {  	s18 =	simm.s32 $0x7400  }
0x43b: {  	[tilespmem:s18], [sflag:$0x1] =	stream.indirect_vreg.gather [hbm4b:s2+s3], $0x80, v3, vm0, $0xb8;
	[tilespmem:$0x18400] =	vst v63  }
0x43c: {  	s19 =	simm.s32 $0x7C00  }
0x43d: {  	[tilespmem:s19], [sflag:$0x1] =	stream.indirect_vreg.gather [hbm4b:s5+s3], $0x80, v3, vm0, $0xb8;
	[tilespmem:$0x18400] =	vst v63  }
0x43e: {  	_ =	swait.ge [sflag:s30], $0x8000  }
0x43f: {  	[sflag:s30] =	ssyncset.done $0x0  }
0x440: {  	s24 =	rddreg [dreg:$0x11];
	[sflag:s30] =	ssyncadd.s32 $0xFFFF8000  }
0x441: {  	[hbm4b:s24+s3] =	stream.linear.scatter [tilespmem:s31], [sflag:$0x5], $0x8000, $0x38;
	[tilespmem:$0x18400] =	vst v63  }
0x442: {  	_ =	swait.ge [sflag:s1], $0x8000  }
0x443: {  	[sflag:s1] =	ssyncset.done $0x0  }
0x444: {  	s25 =	rddreg [dreg:$0x12];
	[sflag:s1] =	ssyncadd.s32 $0xFFFF8000  }
0x445: {  	[hbm4b:s25+s3] =	stream.linear.scatter [tilespmem:s8], [sflag:$0x6], $0x8000, $0x38;
	[tilespmem:$0x18400] =	vst v63  }
0x446: {  	_ =	swait.ge [sflag:s28], $0x8000  }
0x447: {  	[sflag:s28] =	ssyncset.done $0x0  }
0x448: {  	s26 =	rddreg [dreg:$0x13];
	[sflag:s28] =	ssyncadd.s32 $0xFFFF8000  }
0x449: {  	[hbm4b:s26+s3] =	stream.linear.scatter [tilespmem:s23], [sflag:$0x4], $0x8000, $0x38;
	[tilespmem:$0x18400] =	vst v63  }
0x44a: {  	_ =	swait.ge [sflag:s29], $0x8000  }
0x44b: {  	[sflag:s29] =	ssyncset.done $0x0  }
0x44c: {  	[sflag:s29] =	ssyncadd.s32 $0xFFFF8000  }
0x44d: {  	p0 =	sne.s32 s6, $0x1;
	_ =	swait.ge [sflag:s0], $0x8000  }
.Ltmp0:
0x44e: {  	[sflag:s0] =	ssyncset.done $0x0;
	(pc) =	sbr.rel @p0 .LBB2_1-.Ltmp0, $4  }
0x44f: {  	[sflag:s0] =	ssyncadd.s32 $0xFFFF8000  }
0x450: {  	_ =	swait.ge [sflag:s4], $0x8000  }
0x451: {  	[sflag:s4] =	ssyncset.done $0x0  }
0x452: {  	s6 =	sadd.s32 $0xFFFFFFFF, s6;
	[sflag:s4] =	ssyncadd.s32 $0xFFFF8000  }
0x453: {  	_ =	sfence.sel $0x180000  }
0x454: {  	[bflag:$0x0] =	sbarrier.arrive $0xFFFF  }
0x455: {  	_ =	strace $0x90000047  }
0x456: {  	s0 =	stileid.u32;
	[bflag:$0x2] =	sbarrier.arrive $0xFFFF  }
0x457: {  	p0 =	sne.s32 s0, $0x0;
	s0 =	rddreg [dreg:$0x3]  }
0x458: {  	s0 =	sadd.s32 @!p0 $0x100000, s0  }
0x459: {  	[sflag:s0] =	ssyncadd.tile.s32 @!p0 $0x1;
	_ =	shalt  }
.Lfunc_end2:
_tile_overlayer_lowered:
.L_overlay_start_2:
0x45a: {  	(tag) =	ssettag $0x2  }
0x45b: {  	s0 =	rddreg [dreg:$0x0];
	s2 =	stileid.u32  }
0x45c: {  	s1 =	rddreg [dreg:$0x1];
	p0 =	sne.s32 s2, $0x0  }
0x45d: {  	s3 =	rddreg [dreg:$0x2];
	[bflag:$0x3] =	sbarrier.arrive $0xFFFF;
	s2 =	simm.s32 @!p0 $0x1C07  }
0x45e: {  	[timem:s3], [sflag:s2] =	dma.local @!p0 [hbm:s0], s1  }
0x45f: {  	s0 =	simm.s32 @!p0 $0x7  }
0x460: {  	_ =	swait.ge @!p0 [sflag:s0], s1  }
0x461: {  	s1 =	ssub.s32 @!p0 $0x0, s1;
	[sflag:s0] =	ssyncset.done @!p0 $0x0  }
0x462: {  	[sflag:s0] =	ssyncadd.s32 @!p0 s1  }
0x463: {  	[bflag:$0x3] =	sbarrier.arrive $0xFFFF  }
0x464: {  	_ =	shalt  }

</sc_bundles>
